<compile_context>
chip_gen: v7x
topology: tpu7x:2x2x1
jax: 0.10.2.dev20260603
libtpu: 0.0.44.dev20260713+nightly
codegen_flags: <defaults>
</compile_context>

<pallas_src>
import functools

import jax
import jax.numpy as jnp
from jax import lax
from jax.experimental import pallas as pl
from jax.experimental.pallas import tpu as pltpu
from jax.experimental.pallas import tpu_sc as plsc

HCT = 2048
TEXT_LEN = 4096
VIS_LEN = 1024
AUD_LEN = 1024
TOTAL = TEXT_LEN + VIS_LEN + AUD_LEN
VOCAB = 100000
NEXP = 16

ROW_CHUNK = 512
N_TEXT_CHUNKS = TEXT_LEN // ROW_CHUNK
V_TILE = 1024


def _mean_body(text_ref, vis_ref, aud_ref, out_ref):
    step = pl.program_id(0)
    part = jnp.sum(text_ref[...], axis=0, keepdims=True)

    @pl.when(step == 0)
    def _init():
        rest = (jnp.sum(vis_ref[...], axis=0, keepdims=True)
                + jnp.sum(aud_ref[...], axis=0, keepdims=True))
        out_ref[...] = part + rest

    @pl.when(step != 0)
    def _acc():
        out_ref[...] += part

    @pl.when(step == N_TEXT_CHUNKS - 1)
    def _fin():
        out_ref[...] *= (1.0 / TOTAL)


def _fused_mean(text, vis, aud):
    return pl.pallas_call(
        _mean_body,
        grid=(N_TEXT_CHUNKS,),
        in_specs=[
            pl.BlockSpec((ROW_CHUNK, HCT), lambda i: (i, 0)),
            pl.BlockSpec((VIS_LEN, HCT), lambda i: (0, 0)),
            pl.BlockSpec((AUD_LEN, HCT), lambda i: (0, 0)),
        ],
        out_specs=pl.BlockSpec((1, HCT), lambda i: (0, 0)),
        out_shape=jax.ShapeDtypeStruct((1, HCT), jnp.float32),
    )(text, vis, aud)


def _sc_router_body(fused_hbm, rw_hbm, out_hbm, fused_v, rw_v, idx_v, sem0):
    wid = lax.axis_index("s") * 2 + lax.axis_index("c")

    @pl.when(wid == 0)
    def _only_tile0():
        pltpu.sync_copy(fused_hbm, fused_v)
        pltpu.async_copy(rw_hbm, rw_v, sem0).wait()
        lanes = lax.iota(jnp.int32, 16)
        zeros = jnp.zeros((16,), jnp.float32)

        def jbody(j, accs):
            j0 = j * 32
            f0 = fused_v[pl.ds(j0, 16)]
            f1 = fused_v[pl.ds(j0 + 16, 16)]
            new = []
            for r in range(NEXP):
                a = accs[r] + rw_v[r, pl.ds(j0, 16)] * f0
                a = a + rw_v[r, pl.ds(j0 + 16, 16)] * f1
                new.append(a)
            return tuple(new)

        accs = lax.fori_loop(0, HCT // 32, jbody, (zeros,) * NEXP)

        gd = lax.GatherDimensionNumbers(
            offset_dims=(), collapsed_slice_dims=(0,), start_index_map=(0,))

        def lane_sum(v):
            for k in (1, 2, 4, 8):
                perm = lax.gather(v, (lanes ^ k)[:, None], gd, slice_sizes=(1,),
                                  mode=lax.GatherScatterMode.PROMISE_IN_BOUNDS)
                v = v + perm
            return v

        logits = jnp.zeros((16,), jnp.float32)
        for r in range(NEXP):
            logits = jnp.where(lanes == r, lane_sum(accs[r]), logits)

        def butterfly(v, op):
            for k in (1, 2, 4, 8):
                perm = lax.gather(v, (lanes ^ k)[:, None], gd, slice_sizes=(1,),
                                  mode=lax.GatherScatterMode.PROMISE_IN_BOUNDS)
                v = op(v, perm)
            return v

        def argmax16(v):
            mx = butterfly(v, jnp.maximum)
            cand = jnp.where(v == mx, lanes, jnp.full((16,), 16, jnp.int32))
            return butterfly(cand, jnp.minimum)

        i0 = argmax16(logits)
        neg = jnp.full((16,), -jnp.inf, jnp.float32)
        logits2 = jnp.where(lanes == i0, neg, logits)
        i1 = argmax16(logits2)
        idx_v[...] = jnp.where(lanes == 0, i0, i1)
        pltpu.sync_copy(idx_v, out_hbm)


def _sc_router(fused_flat, rw):
    mesh = plsc.VectorSubcoreMesh(core_axis_name="c", subcore_axis_name="s")
    run = functools.partial(
        pl.kernel,
        mesh=mesh,
        out_type=jax.ShapeDtypeStruct((16,), jnp.int32),
        scratch_types=[
            pltpu.VMEM((HCT,), jnp.float32),
            pltpu.VMEM((NEXP, HCT), jnp.float32),
            pltpu.VMEM((16,), jnp.int32),
            pltpu.SemaphoreType.DMA,
        ],
    )(_sc_router_body)
    return run(fused_flat, rw)


def _proj_body(fused_ref, w_ref, b_ref, out_ref):
    acc = lax.dot_general(
        fused_ref[...], w_ref[...],
        dimension_numbers=(((1,), (1,)), ((), ())),
        preferred_element_type=jnp.float32,
    )
    out_ref[...] = acc + b_ref[...]


def _vocab_proj(fused, w, b):
    n_tiles = pl.cdiv(VOCAB, V_TILE)
    return pl.pallas_call(
        _proj_body,
        grid=(n_tiles,),
        in_specs=[
            pl.BlockSpec((1, HCT), lambda i: (0, 0)),
            pl.BlockSpec((V_TILE, HCT), lambda i: (i, 0)),
            pl.BlockSpec((1, V_TILE), lambda i: (0, i)),
        ],
        out_specs=pl.BlockSpec((1, V_TILE), lambda i: (0, i)),
        out_shape=jax.ShapeDtypeStruct((1, VOCAB), jnp.float32),
    )(fused, w, b)


def kernel(text_vector, visual_vector, audio_vector, router_weight, output_weight, output_bias):
    fused = _fused_mean(text_vector, visual_vector, audio_vector)
    top_idx = _sc_router(fused.reshape(HCT), router_weight)
    logits = _vocab_proj(fused, output_weight, output_bias[None, :])
    topk = top_idx[:2].reshape(1, 2)
    return (logits, topk)

# --- scband reference (transcript-rebuilt; emitter-appended) ---
"""Pipeline reference for scband-zaiemodel-9904194584625 (READ-ONLY COPY).

The authoritative reference and input builder live on the scoring server;
editing this copy changes nothing except your own understanding.
"""

import jax, jax.numpy as jnp
import numpy as np

HCT_DIM = 2048
VOCAB_SIZE = 100000
NUM_EXPERTS = 16
TOP_K = 2
TEXT_LEN = 4096
VIS_LEN = 1024
AUD_LEN = 1024


def setup_inputs(seed: int = 0) -> dict:
    key = jax.random.key(seed)
    ks = jax.random.split(key, 6)
    text_vector = jax.random.normal(ks[0], (TEXT_LEN, HCT_DIM), dtype=jnp.float32)
    visual_vector = jax.random.normal(ks[1], (VIS_LEN, HCT_DIM), dtype=jnp.float32)
    audio_vector = jax.random.normal(ks[2], (AUD_LEN, HCT_DIM), dtype=jnp.float32)
    # learned parameters
    router_weight = jax.random.normal(ks[3], (NUM_EXPERTS, HCT_DIM), dtype=jnp.float32) * 0.02
    output_weight = jax.random.normal(ks[4], (VOCAB_SIZE, HCT_DIM), dtype=jnp.float32) * 0.02
    output_bias = jnp.zeros((VOCAB_SIZE,), dtype=jnp.float32)
    return {
        'text_vector': text_vector,
        'visual_vector': visual_vector,
        'audio_vector': audio_vector,
        'router_weight': router_weight,
        'output_weight': output_weight,
        'output_bias': output_bias,
    }


def reference(text_vector, visual_vector, audio_vector, router_weight, output_weight, output_bias):
    # Encoders produce per-modality conceptual vectors (provided as inputs here).
    all_vectors = jnp.concatenate([text_vector, visual_vector, audio_vector], axis=0)
    # fused_representation = mean over concat dim, then unsqueeze(0) -> [1, hct_dim]
    fused_representation = jnp.mean(all_vectors, axis=0)[None, :]
    # ConceptualAwareRouter.route: top_k=2 expert selection on fused rep (detached in original)
    router_logits = fused_representation @ router_weight.T  # [1, num_experts]
    _, top_k_indices = jax.lax.top_k(router_logits, TOP_K)  # [1, top_k]
    # moe_output = fused_representation (experts are pass-through in this forward)
    moe_output = fused_representation
    # output_layer: Linear(hct_dim, vocab_size)
    output_logits = moe_output @ output_weight.T + output_bias  # [1, vocab]
    return (output_logits, top_k_indices)

if __name__ == "__main__":
    import jax
    _d = setup_inputs()
    print(jax.jit(kernel)(*tuple(_d.values())))

</pallas_src>

<mosaic_0001>
#map = affine_map<(d0, d1) -> (0)>
#map1 = affine_map<(d0, d1) -> (0, 0)>
module attributes {stable_mosaic.version = 14 : i64} {
  func.func @_sc_router_body(%arg0: i32, %arg1: i32, %arg2: memref<2048xf32, #tpu.memory_space<hbm>>, %arg3: memref<16x2048xf32, #tpu.memory_space<hbm>>, %arg4: memref<16xi32, #tpu.memory_space<hbm>>, %arg5: memref<2048xf32, #tpu.memory_space<vmem>>, %arg6: memref<16x2048xf32, #tpu.memory_space<vmem>>, %arg7: memref<16xi32, #tpu.memory_space<vmem>>, %arg8: memref<!tpu.dma_semaphore, #tpu.memory_space<semaphore_mem>>) attributes {dimension_semantics = [#tpu.dimension_semantics<core_parallel>, #tpu.dimension_semantics<subcore_parallel>], iteration_bounds = array<i64: 2, 16>, scalar_prefetch = 0 : i64, scratch_operands = 4 : i64, tpu.core_type = #tpu.core_type<sc_vector_subcore>, window_params = [{transform_indices = #map}, {transform_indices = #map1}, {transform_indices = #map}]} {
    %mul3A = arith.constant 2 : i32
    %mul3A_0 = arith.muli %arg1, %mul3A : i32
    %add3A = arith.addi %mul3A_0, %arg0 : i32
    %eq3A = arith.constant 0 : i32
    %eq3A_1 = arith.cmpi eq, %add3A, %eq3A : i32
    %convert_element_type3A = arith.extui %eq3A_1 : i1 to i32
    %cond3A = arith.constant 0 : i32
    %cond3A_2 = arith.cmpi ne, %convert_element_type3A, %cond3A : i32
    scf.if %cond3A_2 {
      "tpu.region"() ({
        %run_scoped3A = tpu.sem_alloc : memref<!tpu.dma_semaphore, #tpu.memory_space<semaphore_mem>>
        tpu.enqueue_dma source(%arg2 : memref<2048xf32, #tpu.memory_space<hbm>>) target(%arg5 : memref<2048xf32, #tpu.memory_space<vmem>>) target_semaphore(%run_scoped3A : memref<!tpu.dma_semaphore, #tpu.memory_space<semaphore_mem>>)
        tpu.wait_dma2 semaphore(%run_scoped3A : memref<!tpu.dma_semaphore, #tpu.memory_space<semaphore_mem>>) src(%arg2 : memref<2048xf32, #tpu.memory_space<hbm>>) dst(%arg5 : memref<2048xf32, #tpu.memory_space<vmem>>)
        tpu.yield
      }) : () -> ()
      tpu.enqueue_dma source(%arg3 : memref<16x2048xf32, #tpu.memory_space<hbm>>) target(%arg6 : memref<16x2048xf32, #tpu.memory_space<vmem>>) target_semaphore(%arg8 : memref<!tpu.dma_semaphore, #tpu.memory_space<semaphore_mem>>)
      tpu.wait_dma2 semaphore(%arg8 : memref<!tpu.dma_semaphore, #tpu.memory_space<semaphore_mem>>) src(%arg3 : memref<16x2048xf32, #tpu.memory_space<hbm>>) dst(%arg6 : memref<16x2048xf32, #tpu.memory_space<vmem>>)
      %iota3A = tpu.iota {dimensions = array<i32: 0>} : vector<16xi32>
      %broadcast_in_dim3A = arith.constant 0.000000e+00 : f32
      %broadcast_in_dim3A_3 = vector.broadcast %broadcast_in_dim3A : f32 to vector<16xf32>
      %scan3A = arith.constant 0 : i32
      %scan3A_4 = arith.constant 64 : i32
      %scan3A_5 = arith.addi %scan3A, %scan3A_4 : i32
      %scan3A_6 = arith.constant 1 : i32
      %scan3A_7:16 = scf.for %scan3A_649 = %scan3A to %scan3A_5 step %scan3A_6 iter_args(%scan3A_650 = %broadcast_in_dim3A_3, %scan3A_651 = %broadcast_in_dim3A_3, %scan3A_652 = %broadcast_in_dim3A_3, %scan3A_653 = %broadcast_in_dim3A_3, %scan3A_654 = %broadcast_in_dim3A_3, %scan3A_655 = %broadcast_in_dim3A_3, %scan3A_656 = %broadcast_in_dim3A_3, %scan3A_657 = %broadcast_in_dim3A_3, %scan3A_658 = %broadcast_in_dim3A_3, %scan3A_659 = %broadcast_in_dim3A_3, %scan3A_660 = %broadcast_in_dim3A_3, %scan3A_661 = %broadcast_in_dim3A_3, %scan3A_662 = %broadcast_in_dim3A_3, %scan3A_663 = %broadcast_in_dim3A_3, %scan3A_664 = %broadcast_in_dim3A_3, %scan3A_665 = %broadcast_in_dim3A_3) -> (vector<16xf32>, vector<16xf32>, vector<16xf32>, vector<16xf32>, vector<16xf32>, vector<16xf32>, vector<16xf32>, vector<16xf32>, vector<16xf32>, vector<16xf32>, vector<16xf32>, vector<16xf32>, vector<16xf32>, vector<16xf32>, vector<16xf32>, vector<16xf32>)  : i32 {
        %mul3A_666 = arith.constant 32 : i32
        %mul3A_667 = arith.muli %scan3A_649, %mul3A_666 : i32
        %get3A = arith.index_cast %mul3A_667 : i32 to index
        %get3A_668 = tpu.vector_load %arg5[%get3A] {strides = array<i32>} : memref<2048xf32, #tpu.memory_space<vmem>>, vector<16xf32>,
        %get3A_669 = vector.shape_cast %get3A_668 : vector<16xf32> to vector<16xf32>
        %add3A_670 = arith.constant 16 : i32
        %add3A_671 = arith.addi %mul3A_667, %add3A_670 : i32
        %get3A_672 = arith.index_cast %add3A_671 : i32 to index
        %get3A_673 = tpu.vector_load %arg5[%get3A_672] {strides = array<i32>} : memref<2048xf32, #tpu.memory_space<vmem>>, vector<16xf32>,
        %get3A_674 = vector.shape_cast %get3A_673 : vector<16xf32> to vector<16xf32>
        %get3A_675 = arith.constant 0 : i32
        %get3A_676 = arith.index_cast %get3A_675 : i32 to index
        %get3A_677 = arith.index_cast %mul3A_667 : i32 to index
        %get3A_678 = tpu.vector_load %arg6[%get3A_676, %get3A_677] {strides = array<i32>} : memref<16x2048xf32, #tpu.memory_space<vmem>>, vector<1x16xf32>,
        %get3A_679 = vector.shape_cast %get3A_678 : vector<1x16xf32> to vector<16xf32>
        %mul3A_680 = arith.mulf %get3A_679, %get3A_669 : vector<16xf32>
        %add3A_681 = arith.addf %scan3A_650, %mul3A_680 : vector<16xf32>
        %add3A_682 = arith.constant 16 : i32
        %add3A_683 = arith.addi %mul3A_667, %add3A_682 : i32
        %get3A_684 = arith.constant 0 : i32
        %get3A_685 = arith.index_cast %get3A_684 : i32 to index
        %get3A_686 = arith.index_cast %add3A_683 : i32 to index
        %get3A_687 = tpu.vector_load %arg6[%get3A_685, %get3A_686] {strides = array<i32>} : memref<16x2048xf32, #tpu.memory_space<vmem>>, vector<1x16xf32>,
        %get3A_688 = vector.shape_cast %get3A_687 : vector<1x16xf32> to vector<16xf32>
        %mul3A_689 = arith.mulf %get3A_688, %get3A_674 : vector<16xf32>
        %add3A_690 = arith.addf %add3A_681, %mul3A_689 : vector<16xf32>
        %get3A_691 = arith.constant 1 : i32
        %get3A_692 = arith.index_cast %get3A_691 : i32 to index
        %get3A_693 = arith.index_cast %mul3A_667 : i32 to index
        %get3A_694 = tpu.vector_load %arg6[%get3A_692, %get3A_693] {strides = array<i32>} : memref<16x2048xf32, #tpu.memory_space<vmem>>, vector<1x16xf32>,
        %get3A_695 = vector.shape_cast %get3A_694 : vector<1x16xf32> to vector<16xf32>
        %mul3A_696 = arith.mulf %get3A_695, %get3A_669 : vector<16xf32>
        %add3A_697 = arith.addf %scan3A_651, %mul3A_696 : vector<16xf32>
        %add3A_698 = arith.constant 16 : i32
        %add3A_699 = arith.addi %mul3A_667, %add3A_698 : i32
        %get3A_700 = arith.constant 1 : i32
        %get3A_701 = arith.index_cast %get3A_700 : i32 to index
        %get3A_702 = arith.index_cast %add3A_699 : i32 to index
        %get3A_703 = tpu.vector_load %arg6[%get3A_701, %get3A_702] {strides = array<i32>} : memref<16x2048xf32, #tpu.memory_space<vmem>>, vector<1x16xf32>,
        %get3A_704 = vector.shape_cast %get3A_703 : vector<1x16xf32> to vector<16xf32>
        %mul3A_705 = arith.mulf %get3A_704, %get3A_674 : vector<16xf32>
        %add3A_706 = arith.addf %add3A_697, %mul3A_705 : vector<16xf32>
        %get3A_707 = arith.constant 2 : i32
        %get3A_708 = arith.index_cast %get3A_707 : i32 to index
        %get3A_709 = arith.index_cast %mul3A_667 : i32 to index
        %get3A_710 = tpu.vector_load %arg6[%get3A_708, %get3A_709] {strides = array<i32>} : memref<16x2048xf32, #tpu.memory_space<vmem>>, vector<1x16xf32>,
        %get3A_711 = vector.shape_cast %get3A_710 : vector<1x16xf32> to vector<16xf32>
        %mul3A_712 = arith.mulf %get3A_711, %get3A_669 : vector<16xf32>
        %add3A_713 = arith.addf %scan3A_652, %mul3A_712 : vector<16xf32>
        %add3A_714 = arith.constant 16 : i32
        %add3A_715 = arith.addi %mul3A_667, %add3A_714 : i32
        %get3A_716 = arith.constant 2 : i32
        %get3A_717 = arith.index_cast %get3A_716 : i32 to index
        %get3A_718 = arith.index_cast %add3A_715 : i32 to index
        %get3A_719 = tpu.vector_load %arg6[%get3A_717, %get3A_718] {strides = array<i32>} : memref<16x2048xf32, #tpu.memory_space<vmem>>, vector<1x16xf32>,
        %get3A_720 = vector.shape_cast %get3A_719 : vector<1x16xf32> to vector<16xf32>
        %mul3A_721 = arith.mulf %get3A_720, %get3A_674 : vector<16xf32>
        %add3A_722 = arith.addf %add3A_713, %mul3A_721 : vector<16xf32>
        %get3A_723 = arith.constant 3 : i32
        %get3A_724 = arith.index_cast %get3A_723 : i32 to index
        %get3A_725 = arith.index_cast %mul3A_667 : i32 to index
        %get3A_726 = tpu.vector_load %arg6[%get3A_724, %get3A_725] {strides = array<i32>} : memref<16x2048xf32, #tpu.memory_space<vmem>>, vector<1x16xf32>,
        %get3A_727 = vector.shape_cast %get3A_726 : vector<1x16xf32> to vector<16xf32>
        %mul3A_728 = arith.mulf %get3A_727, %get3A_669 : vector<16xf32>
        %add3A_729 = arith.addf %scan3A_653, %mul3A_728 : vector<16xf32>
        %add3A_730 = arith.constant 16 : i32
        %add3A_731 = arith.addi %mul3A_667, %add3A_730 : i32
        %get3A_732 = arith.constant 3 : i32
        %get3A_733 = arith.index_cast %get3A_732 : i32 to index
        %get3A_734 = arith.index_cast %add3A_731 : i32 to index
        %get3A_735 = tpu.vector_load %arg6[%get3A_733, %get3A_734] {strides = array<i32>} : memref<16x2048xf32, #tpu.memory_space<vmem>>, vector<1x16xf32>,
        %get3A_736 = vector.shape_cast %get3A_735 : vector<1x16xf32> to vector<16xf32>
        %mul3A_737 = arith.mulf %get3A_736, %get3A_674 : vector<16xf32>
        %add3A_738 = arith.addf %add3A_729, %mul3A_737 : vector<16xf32>
        %get3A_739 = arith.constant 4 : i32
        %get3A_740 = arith.index_cast %get3A_739 : i32 to index
        %get3A_741 = arith.index_cast %mul3A_667 : i32 to index
        %get3A_742 = tpu.vector_load %arg6[%get3A_740, %get3A_741] {strides = array<i32>} : memref<16x2048xf32, #tpu.memory_space<vmem>>, vector<1x16xf32>,
        %get3A_743 = vector.shape_cast %get3A_742 : vector<1x16xf32> to vector<16xf32>
        %mul3A_744 = arith.mulf %get3A_743, %get3A_669 : vector<16xf32>
        %add3A_745 = arith.addf %scan3A_654, %mul3A_744 : vector<16xf32>
        %add3A_746 = arith.constant 16 : i32
        %add3A_747 = arith.addi %mul3A_667, %add3A_746 : i32
        %get3A_748 = arith.constant 4 : i32
        %get3A_749 = arith.index_cast %get3A_748 : i32 to index
        %get3A_750 = arith.index_cast %add3A_747 : i32 to index
        %get3A_751 = tpu.vector_load %arg6[%get3A_749, %get3A_750] {strides = array<i32>} : memref<16x2048xf32, #tpu.memory_space<vmem>>, vector<1x16xf32>,
        %get3A_752 = vector.shape_cast %get3A_751 : vector<1x16xf32> to vector<16xf32>
        %mul3A_753 = arith.mulf %get3A_752, %get3A_674 : vector<16xf32>
        %add3A_754 = arith.addf %add3A_745, %mul3A_753 : vector<16xf32>
        %get3A_755 = arith.constant 5 : i32
        %get3A_756 = arith.index_cast %get3A_755 : i32 to index
        %get3A_757 = arith.index_cast %mul3A_667 : i32 to index
        %get3A_758 = tpu.vector_load %arg6[%get3A_756, %get3A_757] {strides = array<i32>} : memref<16x2048xf32, #tpu.memory_space<vmem>>, vector<1x16xf32>,
        %get3A_759 = vector.shape_cast %get3A_758 : vector<1x16xf32> to vector<16xf32>
        %mul3A_760 = arith.mulf %get3A_759, %get3A_669 : vector<16xf32>
        %add3A_761 = arith.addf %scan3A_655, %mul3A_760 : vector<16xf32>
        %add3A_762 = arith.constant 16 : i32
        %add3A_763 = arith.addi %mul3A_667, %add3A_762 : i32
        %get3A_764 = arith.constant 5 : i32
        %get3A_765 = arith.index_cast %get3A_764 : i32 to index
        %get3A_766 = arith.index_cast %add3A_763 : i32 to index
        %get3A_767 = tpu.vector_load %arg6[%get3A_765, %get3A_766] {strides = array<i32>} : memref<16x2048xf32, #tpu.memory_space<vmem>>, vector<1x16xf32>,
        %get3A_768 = vector.shape_cast %get3A_767 : vector<1x16xf32> to vector<16xf32>
        %mul3A_769 = arith.mulf %get3A_768, %get3A_674 : vector<16xf32>
        %add3A_770 = arith.addf %add3A_761, %mul3A_769 : vector<16xf32>
        %get3A_771 = arith.constant 6 : i32
        %get3A_772 = arith.index_cast %get3A_771 : i32 to index
        %get3A_773 = arith.index_cast %mul3A_667 : i32 to index
        %get3A_774 = tpu.vector_load %arg6[%get3A_772, %get3A_773] {strides = array<i32>} : memref<16x2048xf32, #tpu.memory_space<vmem>>, vector<1x16xf32>,
        %get3A_775 = vector.shape_cast %get3A_774 : vector<1x16xf32> to vector<16xf32>
        %mul3A_776 = arith.mulf %get3A_775, %get3A_669 : vector<16xf32>
        %add3A_777 = arith.addf %scan3A_656, %mul3A_776 : vector<16xf32>
        %add3A_778 = arith.constant 16 : i32
        %add3A_779 = arith.addi %mul3A_667, %add3A_778 : i32
        %get3A_780 = arith.constant 6 : i32
        %get3A_781 = arith.index_cast %get3A_780 : i32 to index
        %get3A_782 = arith.index_cast %add3A_779 : i32 to index
        %get3A_783 = tpu.vector_load %arg6[%get3A_781, %get3A_782] {strides = array<i32>} : memref<16x2048xf32, #tpu.memory_space<vmem>>, vector<1x16xf32>,
        %get3A_784 = vector.shape_cast %get3A_783 : vector<1x16xf32> to vector<16xf32>
        %mul3A_785 = arith.mulf %get3A_784, %get3A_674 : vector<16xf32>
        %add3A_786 = arith.addf %add3A_777, %mul3A_785 : vector<16xf32>
        %get3A_787 = arith.constant 7 : i32
        %get3A_788 = arith.index_cast %get3A_787 : i32 to index
        %get3A_789 = arith.index_cast %mul3A_667 : i32 to index
        %get3A_790 = tpu.vector_load %arg6[%get3A_788, %get3A_789] {strides = array<i32>} : memref<16x2048xf32, #tpu.memory_space<vmem>>, vector<1x16xf32>,
        %get3A_791 = vector.shape_cast %get3A_790 : vector<1x16xf32> to vector<16xf32>
        %mul3A_792 = arith.mulf %get3A_791, %get3A_669 : vector<16xf32>
        %add3A_793 = arith.addf %scan3A_657, %mul3A_792 : vector<16xf32>
        %add3A_794 = arith.constant 16 : i32
        %add3A_795 = arith.addi %mul3A_667, %add3A_794 : i32
        %get3A_796 = arith.constant 7 : i32
        %get3A_797 = arith.index_cast %get3A_796 : i32 to index
        %get3A_798 = arith.index_cast %add3A_795 : i32 to index
        %get3A_799 = tpu.vector_load %arg6[%get3A_797, %get3A_798] {strides = array<i32>} : memref<16x2048xf32, #tpu.memory_space<vmem>>, vector<1x16xf32>,
        %get3A_800 = vector.shape_cast %get3A_799 : vector<1x16xf32> to vector<16xf32>
        %mul3A_801 = arith.mulf %get3A_800, %get3A_674 : vector<16xf32>
        %add3A_802 = arith.addf %add3A_793, %mul3A_801 : vector<16xf32>
        %get3A_803 = arith.constant 8 : i32
        %get3A_804 = arith.index_cast %get3A_803 : i32 to index
        %get3A_805 = arith.index_cast %mul3A_667 : i32 to index
        %get3A_806 = tpu.vector_load %arg6[%get3A_804, %get3A_805] {strides = array<i32>} : memref<16x2048xf32, #tpu.memory_space<vmem>>, vector<1x16xf32>,
        %get3A_807 = vector.shape_cast %get3A_806 : vector<1x16xf32> to vector<16xf32>
        %mul3A_808 = arith.mulf %get3A_807, %get3A_669 : vector<16xf32>
        %add3A_809 = arith.addf %scan3A_658, %mul3A_808 : vector<16xf32>
        %add3A_810 = arith.constant 16 : i32
        %add3A_811 = arith.addi %mul3A_667, %add3A_810 : i32
        %get3A_812 = arith.constant 8 : i32
        %get3A_813 = arith.index_cast %get3A_812 : i32 to index
        %get3A_814 = arith.index_cast %add3A_811 : i32 to index
        %get3A_815 = tpu.vector_load %arg6[%get3A_813, %get3A_814] {strides = array<i32>} : memref<16x2048xf32, #tpu.memory_space<vmem>>, vector<1x16xf32>,
        %get3A_816 = vector.shape_cast %get3A_815 : vector<1x16xf32> to vector<16xf32>
        %mul3A_817 = arith.mulf %get3A_816, %get3A_674 : vector<16xf32>
        %add3A_818 = arith.addf %add3A_809, %mul3A_817 : vector<16xf32>
        %get3A_819 = arith.constant 9 : i32
        %get3A_820 = arith.index_cast %get3A_819 : i32 to index
        %get3A_821 = arith.index_cast %mul3A_667 : i32 to index
        %get3A_822 = tpu.vector_load %arg6[%get3A_820, %get3A_821] {strides = array<i32>} : memref<16x2048xf32, #tpu.memory_space<vmem>>, vector<1x16xf32>,
        %get3A_823 = vector.shape_cast %get3A_822 : vector<1x16xf32> to vector<16xf32>
        %mul3A_824 = arith.mulf %get3A_823, %get3A_669 : vector<16xf32>
        %add3A_825 = arith.addf %scan3A_659, %mul3A_824 : vector<16xf32>
        %add3A_826 = arith.constant 16 : i32
        %add3A_827 = arith.addi %mul3A_667, %add3A_826 : i32
        %get3A_828 = arith.constant 9 : i32
        %get3A_829 = arith.index_cast %get3A_828 : i32 to index
        %get3A_830 = arith.index_cast %add3A_827 : i32 to index
        %get3A_831 = tpu.vector_load %arg6[%get3A_829, %get3A_830] {strides = array<i32>} : memref<16x2048xf32, #tpu.memory_space<vmem>>, vector<1x16xf32>,
        %get3A_832 = vector.shape_cast %get3A_831 : vector<1x16xf32> to vector<16xf32>
        %mul3A_833 = arith.mulf %get3A_832, %get3A_674 : vector<16xf32>
        %add3A_834 = arith.addf %add3A_825, %mul3A_833 : vector<16xf32>
        %get3A_835 = arith.constant 10 : i32
        %get3A_836 = arith.index_cast %get3A_835 : i32 to index
        %get3A_837 = arith.index_cast %mul3A_667 : i32 to index
        %get3A_838 = tpu.vector_load %arg6[%get3A_836, %get3A_837] {strides = array<i32>} : memref<16x2048xf32, #tpu.memory_space<vmem>>, vector<1x16xf32>,
        %get3A_839 = vector.shape_cast %get3A_838 : vector<1x16xf32> to vector<16xf32>
        %mul3A_840 = arith.mulf %get3A_839, %get3A_669 : vector<16xf32>
        %add3A_841 = arith.addf %scan3A_660, %mul3A_840 : vector<16xf32>
        %add3A_842 = arith.constant 16 : i32
        %add3A_843 = arith.addi %mul3A_667, %add3A_842 : i32
        %get3A_844 = arith.constant 10 : i32
        %get3A_845 = arith.index_cast %get3A_844 : i32 to index
        %get3A_846 = arith.index_cast %add3A_843 : i32 to index
        %get3A_847 = tpu.vector_load %arg6[%get3A_845, %get3A_846] {strides = array<i32>} : memref<16x2048xf32, #tpu.memory_space<vmem>>, vector<1x16xf32>,
        %get3A_848 = vector.shape_cast %get3A_847 : vector<1x16xf32> to vector<16xf32>
        %mul3A_849 = arith.mulf %get3A_848, %get3A_674 : vector<16xf32>
        %add3A_850 = arith.addf %add3A_841, %mul3A_849 : vector<16xf32>
        %get3A_851 = arith.constant 11 : i32
        %get3A_852 = arith.index_cast %get3A_851 : i32 to index
        %get3A_853 = arith.index_cast %mul3A_667 : i32 to index
        %get3A_854 = tpu.vector_load %arg6[%get3A_852, %get3A_853] {strides = array<i32>} : memref<16x2048xf32, #tpu.memory_space<vmem>>, vector<1x16xf32>,
        %get3A_855 = vector.shape_cast %get3A_854 : vector<1x16xf32> to vector<16xf32>
        %mul3A_856 = arith.mulf %get3A_855, %get3A_669 : vector<16xf32>
        %add3A_857 = arith.addf %scan3A_661, %mul3A_856 : vector<16xf32>
        %add3A_858 = arith.constant 16 : i32
        %add3A_859 = arith.addi %mul3A_667, %add3A_858 : i32
        %get3A_860 = arith.constant 11 : i32
        %get3A_861 = arith.index_cast %get3A_860 : i32 to index
        %get3A_862 = arith.index_cast %add3A_859 : i32 to index
        %get3A_863 = tpu.vector_load %arg6[%get3A_861, %get3A_862] {strides = array<i32>} : memref<16x2048xf32, #tpu.memory_space<vmem>>, vector<1x16xf32>,
        %get3A_864 = vector.shape_cast %get3A_863 : vector<1x16xf32> to vector<16xf32>
        %mul3A_865 = arith.mulf %get3A_864, %get3A_674 : vector<16xf32>
        %add3A_866 = arith.addf %add3A_857, %mul3A_865 : vector<16xf32>
        %get3A_867 = arith.constant 12 : i32
        %get3A_868 = arith.index_cast %get3A_867 : i32 to index
        %get3A_869 = arith.index_cast %mul3A_667 : i32 to index
        %get3A_870 = tpu.vector_load %arg6[%get3A_868, %get3A_869] {strides = array<i32>} : memref<16x2048xf32, #tpu.memory_space<vmem>>, vector<1x16xf32>,
        %get3A_871 = vector.shape_cast %get3A_870 : vector<1x16xf32> to vector<16xf32>
        %mul3A_872 = arith.mulf %get3A_871, %get3A_669 : vector<16xf32>
        %add3A_873 = arith.addf %scan3A_662, %mul3A_872 : vector<16xf32>
        %add3A_874 = arith.constant 16 : i32
        %add3A_875 = arith.addi %mul3A_667, %add3A_874 : i32
        %get3A_876 = arith.constant 12 : i32
        %get3A_877 = arith.index_cast %get3A_876 : i32 to index
        %get3A_878 = arith.index_cast %add3A_875 : i32 to index
        %get3A_879 = tpu.vector_load %arg6[%get3A_877, %get3A_878] {strides = array<i32>} : memref<16x2048xf32, #tpu.memory_space<vmem>>, vector<1x16xf32>,
        %get3A_880 = vector.shape_cast %get3A_879 : vector<1x16xf32> to vector<16xf32>
        %mul3A_881 = arith.mulf %get3A_880, %get3A_674 : vector<16xf32>
        %add3A_882 = arith.addf %add3A_873, %mul3A_881 : vector<16xf32>
        %get3A_883 = arith.constant 13 : i32
        %get3A_884 = arith.index_cast %get3A_883 : i32 to index
        %get3A_885 = arith.index_cast %mul3A_667 : i32 to index
        %get3A_886 = tpu.vector_load %arg6[%get3A_884, %get3A_885] {strides = array<i32>} : memref<16x2048xf32, #tpu.memory_space<vmem>>, vector<1x16xf32>,
        %get3A_887 = vector.shape_cast %get3A_886 : vector<1x16xf32> to vector<16xf32>
        %mul3A_888 = arith.mulf %get3A_887, %get3A_669 : vector<16xf32>
        %add3A_889 = arith.addf %scan3A_663, %mul3A_888 : vector<16xf32>
        %add3A_890 = arith.constant 16 : i32
        %add3A_891 = arith.addi %mul3A_667, %add3A_890 : i32
        %get3A_892 = arith.constant 13 : i32
        %get3A_893 = arith.index_cast %get3A_892 : i32 to index
        %get3A_894 = arith.index_cast %add3A_891 : i32 to index
        %get3A_895 = tpu.vector_load %arg6[%get3A_893, %get3A_894] {strides = array<i32>} : memref<16x2048xf32, #tpu.memory_space<vmem>>, vector<1x16xf32>,
        %get3A_896 = vector.shape_cast %get3A_895 : vector<1x16xf32> to vector<16xf32>
        %mul3A_897 = arith.mulf %get3A_896, %get3A_674 : vector<16xf32>
        %add3A_898 = arith.addf %add3A_889, %mul3A_897 : vector<16xf32>
        %get3A_899 = arith.constant 14 : i32
        %get3A_900 = arith.index_cast %get3A_899 : i32 to index
        %get3A_901 = arith.index_cast %mul3A_667 : i32 to index
        %get3A_902 = tpu.vector_load %arg6[%get3A_900, %get3A_901] {strides = array<i32>} : memref<16x2048xf32, #tpu.memory_space<vmem>>, vector<1x16xf32>,
        %get3A_903 = vector.shape_cast %get3A_902 : vector<1x16xf32> to vector<16xf32>
        %mul3A_904 = arith.mulf %get3A_903, %get3A_669 : vector<16xf32>
        %add3A_905 = arith.addf %scan3A_664, %mul3A_904 : vector<16xf32>
        %add3A_906 = arith.constant 16 : i32
        %add3A_907 = arith.addi %mul3A_667, %add3A_906 : i32
        %get3A_908 = arith.constant 14 : i32
        %get3A_909 = arith.index_cast %get3A_908 : i32 to index
        %get3A_910 = arith.index_cast %add3A_907 : i32 to index
        %get3A_911 = tpu.vector_load %arg6[%get3A_909, %get3A_910] {strides = array<i32>} : memref<16x2048xf32, #tpu.memory_space<vmem>>, vector<1x16xf32>,
        %get3A_912 = vector.shape_cast %get3A_911 : vector<1x16xf32> to vector<16xf32>
        %mul3A_913 = arith.mulf %get3A_912, %get3A_674 : vector<16xf32>
        %add3A_914 = arith.addf %add3A_905, %mul3A_913 : vector<16xf32>
        %get3A_915 = arith.constant 15 : i32
        %get3A_916 = arith.index_cast %get3A_915 : i32 to index
        %get3A_917 = arith.index_cast %mul3A_667 : i32 to index
        %get3A_918 = tpu.vector_load %arg6[%get3A_916, %get3A_917] {strides = array<i32>} : memref<16x2048xf32, #tpu.memory_space<vmem>>, vector<1x16xf32>,
        %get3A_919 = vector.shape_cast %get3A_918 : vector<1x16xf32> to vector<16xf32>
        %mul3A_920 = arith.mulf %get3A_919, %get3A_669 : vector<16xf32>
        %add3A_921 = arith.addf %scan3A_665, %mul3A_920 : vector<16xf32>
        %add3A_922 = arith.constant 16 : i32
        %add3A_923 = arith.addi %mul3A_667, %add3A_922 : i32
        %get3A_924 = arith.constant 15 : i32
        %get3A_925 = arith.index_cast %get3A_924 : i32 to index
        %get3A_926 = arith.index_cast %add3A_923 : i32 to index
        %get3A_927 = tpu.vector_load %arg6[%get3A_925, %get3A_926] {strides = array<i32>} : memref<16x2048xf32, #tpu.memory_space<vmem>>, vector<1x16xf32>,
        %get3A_928 = vector.shape_cast %get3A_927 : vector<1x16xf32> to vector<16xf32>
        %mul3A_929 = arith.mulf %get3A_928, %get3A_674 : vector<16xf32>
        %add3A_930 = arith.addf %add3A_921, %mul3A_929 : vector<16xf32>
        scf.yield %add3A_690, %add3A_706, %add3A_722, %add3A_738, %add3A_754, %add3A_770, %add3A_786, %add3A_802, %add3A_818, %add3A_834, %add3A_850, %add3A_866, %add3A_882, %add3A_898, %add3A_914, %add3A_930 : vector<16xf32>, vector<16xf32>, vector<16xf32>, vector<16xf32>, vector<16xf32>, vector<16xf32>, vector<16xf32>, vector<16xf32>, vector<16xf32>, vector<16xf32>, vector<16xf32>, vector<16xf32>, vector<16xf32>, vector<16xf32>, vector<16xf32>, vector<16xf32>
      }
      %scan3A_8 = arith.constant 64 : i32
      %broadcast_in_dim3A_9 = arith.constant 0.000000e+00 : f32
      %broadcast_in_dim3A_10 = vector.broadcast %broadcast_in_dim3A_9 : f32 to vector<16xf32>
      %eq3A_11 = arith.constant 0 : i32
      %eq3A_12 = vector.broadcast %eq3A_11 : i32 to vector<16xi32>
      %eq3A_13 = arith.cmpi eq, %iota3A, %eq3A_12 : vector<16xi32>
      %xor3A = arith.constant 1 : i32
      %xor3A_14 = vector.broadcast %xor3A : i32 to vector<16xi32>
      %xor3A_15 = arith.xori %iota3A, %xor3A_14 : vector<16xi32>
      %broadcast_in_dim3A_16 = vector.shape_cast %xor3A_15 : vector<16xi32> to vector<16x1xi32>
      %gather3A = vector.shape_cast %broadcast_in_dim3A_16 : vector<16x1xi32> to vector<16xi32>
      %gather3A_17 = tpu.dynamic_gather %scan3A_7#0[%gather3A] in [0] : vector<16xf32>, vector<16xi32> -> vector<16xf32>
      %add3A_18 = arith.addf %scan3A_7#0, %gather3A_17 : vector<16xf32>
      %xor3A_19 = arith.constant 2 : i32
      %xor3A_20 = vector.broadcast %xor3A_19 : i32 to vector<16xi32>
      %xor3A_21 = arith.xori %iota3A, %xor3A_20 : vector<16xi32>
      %broadcast_in_dim3A_22 = vector.shape_cast %xor3A_21 : vector<16xi32> to vector<16x1xi32>
      %gather3A_23 = vector.shape_cast %broadcast_in_dim3A_22 : vector<16x1xi32> to vector<16xi32>
      %gather3A_24 = tpu.dynamic_gather %add3A_18[%gather3A_23] in [0] : vector<16xf32>, vector<16xi32> -> vector<16xf32>
      %add3A_25 = arith.addf %add3A_18, %gather3A_24 : vector<16xf32>
      %xor3A_26 = arith.constant 4 : i32
      %xor3A_27 = vector.broadcast %xor3A_26 : i32 to vector<16xi32>
      %xor3A_28 = arith.xori %iota3A, %xor3A_27 : vector<16xi32>
      %broadcast_in_dim3A_29 = vector.shape_cast %xor3A_28 : vector<16xi32> to vector<16x1xi32>
      %gather3A_30 = vector.shape_cast %broadcast_in_dim3A_29 : vector<16x1xi32> to vector<16xi32>
      %gather3A_31 = tpu.dynamic_gather %add3A_25[%gather3A_30] in [0] : vector<16xf32>, vector<16xi32> -> vector<16xf32>
      %add3A_32 = arith.addf %add3A_25, %gather3A_31 : vector<16xf32>
      %xor3A_33 = arith.constant 8 : i32
      %xor3A_34 = vector.broadcast %xor3A_33 : i32 to vector<16xi32>
      %xor3A_35 = arith.xori %iota3A, %xor3A_34 : vector<16xi32>
      %broadcast_in_dim3A_36 = vector.shape_cast %xor3A_35 : vector<16xi32> to vector<16x1xi32>
      %gather3A_37 = vector.shape_cast %broadcast_in_dim3A_36 : vector<16x1xi32> to vector<16xi32>
      %gather3A_38 = tpu.dynamic_gather %add3A_32[%gather3A_37] in [0] : vector<16xf32>, vector<16xi32> -> vector<16xf32>
      %add3A_39 = arith.addf %add3A_32, %gather3A_38 : vector<16xf32>
      %select_n3A = arith.select %eq3A_13, %add3A_39, %broadcast_in_dim3A_10 : vector<16xi1>, vector<16xf32>
      %eq3A_40 = arith.constant 1 : i32
      %eq3A_41 = vector.broadcast %eq3A_40 : i32 to vector<16xi32>
      %eq3A_42 = arith.cmpi eq, %iota3A, %eq3A_41 : vector<16xi32>
      %xor3A_43 = arith.constant 1 : i32
      %xor3A_44 = vector.broadcast %xor3A_43 : i32 to vector<16xi32>
      %xor3A_45 = arith.xori %iota3A, %xor3A_44 : vector<16xi32>
      %broadcast_in_dim3A_46 = vector.shape_cast %xor3A_45 : vector<16xi32> to vector<16x1xi32>
      %gather3A_47 = vector.shape_cast %broadcast_in_dim3A_46 : vector<16x1xi32> to vector<16xi32>
      %gather3A_48 = tpu.dynamic_gather %scan3A_7#1[%gather3A_47] in [0] : vector<16xf32>, vector<16xi32> -> vector<16xf32>
      %add3A_49 = arith.addf %scan3A_7#1, %gather3A_48 : vector<16xf32>
      %xor3A_50 = arith.constant 2 : i32
      %xor3A_51 = vector.broadcast %xor3A_50 : i32 to vector<16xi32>
      %xor3A_52 = arith.xori %iota3A, %xor3A_51 : vector<16xi32>
      %broadcast_in_dim3A_53 = vector.shape_cast %xor3A_52 : vector<16xi32> to vector<16x1xi32>
      %gather3A_54 = vector.shape_cast %broadcast_in_dim3A_53 : vector<16x1xi32> to vector<16xi32>
      %gather3A_55 = tpu.dynamic_gather %add3A_49[%gather3A_54] in [0] : vector<16xf32>, vector<16xi32> -> vector<16xf32>
      %add3A_56 = arith.addf %add3A_49, %gather3A_55 : vector<16xf32>
      %xor3A_57 = arith.constant 4 : i32
      %xor3A_58 = vector.broadcast %xor3A_57 : i32 to vector<16xi32>
      %xor3A_59 = arith.xori %iota3A, %xor3A_58 : vector<16xi32>
      %broadcast_in_dim3A_60 = vector.shape_cast %xor3A_59 : vector<16xi32> to vector<16x1xi32>
      %gather3A_61 = vector.shape_cast %broadcast_in_dim3A_60 : vector<16x1xi32> to vector<16xi32>
      %gather3A_62 = tpu.dynamic_gather %add3A_56[%gather3A_61] in [0] : vector<16xf32>, vector<16xi32> -> vector<16xf32>
      %add3A_63 = arith.addf %add3A_56, %gather3A_62 : vector<16xf32>
      %xor3A_64 = arith.constant 8 : i32
      %xor3A_65 = vector.broadcast %xor3A_64 : i32 to vector<16xi32>
      %xor3A_66 = arith.xori %iota3A, %xor3A_65 : vector<16xi32>
      %broadcast_in_dim3A_67 = vector.shape_cast %xor3A_66 : vector<16xi32> to vector<16x1xi32>
      %gather3A_68 = vector.shape_cast %broadcast_in_dim3A_67 : vector<16x1xi32> to vector<16xi32>
      %gather3A_69 = tpu.dynamic_gather %add3A_63[%gather3A_68] in [0] : vector<16xf32>, vector<16xi32> -> vector<16xf32>
      %add3A_70 = arith.addf %add3A_63, %gather3A_69 : vector<16xf32>
      %select_n3A_71 = arith.select %eq3A_42, %add3A_70, %select_n3A : vector<16xi1>, vector<16xf32>
      %eq3A_72 = arith.constant 2 : i32
      %eq3A_73 = vector.broadcast %eq3A_72 : i32 to vector<16xi32>
      %eq3A_74 = arith.cmpi eq, %iota3A, %eq3A_73 : vector<16xi32>
      %xor3A_75 = arith.constant 1 : i32
      %xor3A_76 = vector.broadcast %xor3A_75 : i32 to vector<16xi32>
      %xor3A_77 = arith.xori %iota3A, %xor3A_76 : vector<16xi32>
      %broadcast_in_dim3A_78 = vector.shape_cast %xor3A_77 : vector<16xi32> to vector<16x1xi32>
      %gather3A_79 = vector.shape_cast %broadcast_in_dim3A_78 : vector<16x1xi32> to vector<16xi32>
      %gather3A_80 = tpu.dynamic_gather %scan3A_7#2[%gather3A_79] in [0] : vector<16xf32>, vector<16xi32> -> vector<16xf32>
      %add3A_81 = arith.addf %scan3A_7#2, %gather3A_80 : vector<16xf32>
      %xor3A_82 = arith.constant 2 : i32
      %xor3A_83 = vector.broadcast %xor3A_82 : i32 to vector<16xi32>
      %xor3A_84 = arith.xori %iota3A, %xor3A_83 : vector<16xi32>
      %broadcast_in_dim3A_85 = vector.shape_cast %xor3A_84 : vector<16xi32> to vector<16x1xi32>
      %gather3A_86 = vector.shape_cast %broadcast_in_dim3A_85 : vector<16x1xi32> to vector<16xi32>
      %gather3A_87 = tpu.dynamic_gather %add3A_81[%gather3A_86] in [0] : vector<16xf32>, vector<16xi32> -> vector<16xf32>
      %add3A_88 = arith.addf %add3A_81, %gather3A_87 : vector<16xf32>
      %xor3A_89 = arith.constant 4 : i32
      %xor3A_90 = vector.broadcast %xor3A_89 : i32 to vector<16xi32>
      %xor3A_91 = arith.xori %iota3A, %xor3A_90 : vector<16xi32>
      %broadcast_in_dim3A_92 = vector.shape_cast %xor3A_91 : vector<16xi32> to vector<16x1xi32>
      %gather3A_93 = vector.shape_cast %broadcast_in_dim3A_92 : vector<16x1xi32> to vector<16xi32>
      %gather3A_94 = tpu.dynamic_gather %add3A_88[%gather3A_93] in [0] : vector<16xf32>, vector<16xi32> -> vector<16xf32>
      %add3A_95 = arith.addf %add3A_88, %gather3A_94 : vector<16xf32>
      %xor3A_96 = arith.constant 8 : i32
      %xor3A_97 = vector.broadcast %xor3A_96 : i32 to vector<16xi32>
      %xor3A_98 = arith.xori %iota3A, %xor3A_97 : vector<16xi32>
      %broadcast_in_dim3A_99 = vector.shape_cast %xor3A_98 : vector<16xi32> to vector<16x1xi32>
      %gather3A_100 = vector.shape_cast %broadcast_in_dim3A_99 : vector<16x1xi32> to vector<16xi32>
      %gather3A_101 = tpu.dynamic_gather %add3A_95[%gather3A_100] in [0] : vector<16xf32>, vector<16xi32> -> vector<16xf32>
      %add3A_102 = arith.addf %add3A_95, %gather3A_101 : vector<16xf32>
      %select_n3A_103 = arith.select %eq3A_74, %add3A_102, %select_n3A_71 : vector<16xi1>, vector<16xf32>
      %eq3A_104 = arith.constant 3 : i32
      %eq3A_105 = vector.broadcast %eq3A_104 : i32 to vector<16xi32>
      %eq3A_106 = arith.cmpi eq, %iota3A, %eq3A_105 : vector<16xi32>
      %xor3A_107 = arith.constant 1 : i32
      %xor3A_108 = vector.broadcast %xor3A_107 : i32 to vector<16xi32>
      %xor3A_109 = arith.xori %iota3A, %xor3A_108 : vector<16xi32>
      %broadcast_in_dim3A_110 = vector.shape_cast %xor3A_109 : vector<16xi32> to vector<16x1xi32>
      %gather3A_111 = vector.shape_cast %broadcast_in_dim3A_110 : vector<16x1xi32> to vector<16xi32>
      %gather3A_112 = tpu.dynamic_gather %scan3A_7#3[%gather3A_111] in [0] : vector<16xf32>, vector<16xi32> -> vector<16xf32>
      %add3A_113 = arith.addf %scan3A_7#3, %gather3A_112 : vector<16xf32>
      %xor3A_114 = arith.constant 2 : i32
      %xor3A_115 = vector.broadcast %xor3A_114 : i32 to vector<16xi32>
      %xor3A_116 = arith.xori %iota3A, %xor3A_115 : vector<16xi32>
      %broadcast_in_dim3A_117 = vector.shape_cast %xor3A_116 : vector<16xi32> to vector<16x1xi32>
      %gather3A_118 = vector.shape_cast %broadcast_in_dim3A_117 : vector<16x1xi32> to vector<16xi32>
      %gather3A_119 = tpu.dynamic_gather %add3A_113[%gather3A_118] in [0] : vector<16xf32>, vector<16xi32> -> vector<16xf32>
      %add3A_120 = arith.addf %add3A_113, %gather3A_119 : vector<16xf32>
      %xor3A_121 = arith.constant 4 : i32
      %xor3A_122 = vector.broadcast %xor3A_121 : i32 to vector<16xi32>
      %xor3A_123 = arith.xori %iota3A, %xor3A_122 : vector<16xi32>
      %broadcast_in_dim3A_124 = vector.shape_cast %xor3A_123 : vector<16xi32> to vector<16x1xi32>
      %gather3A_125 = vector.shape_cast %broadcast_in_dim3A_124 : vector<16x1xi32> to vector<16xi32>
      %gather3A_126 = tpu.dynamic_gather %add3A_120[%gather3A_125] in [0] : vector<16xf32>, vector<16xi32> -> vector<16xf32>
      %add3A_127 = arith.addf %add3A_120, %gather3A_126 : vector<16xf32>
      %xor3A_128 = arith.constant 8 : i32
      %xor3A_129 = vector.broadcast %xor3A_128 : i32 to vector<16xi32>
      %xor3A_130 = arith.xori %iota3A, %xor3A_129 : vector<16xi32>
      %broadcast_in_dim3A_131 = vector.shape_cast %xor3A_130 : vector<16xi32> to vector<16x1xi32>
      %gather3A_132 = vector.shape_cast %broadcast_in_dim3A_131 : vector<16x1xi32> to vector<16xi32>
      %gather3A_133 = tpu.dynamic_gather %add3A_127[%gather3A_132] in [0] : vector<16xf32>, vector<16xi32> -> vector<16xf32>
      %add3A_134 = arith.addf %add3A_127, %gather3A_133 : vector<16xf32>
      %select_n3A_135 = arith.select %eq3A_106, %add3A_134, %select_n3A_103 : vector<16xi1>, vector<16xf32>
      %eq3A_136 = arith.constant 4 : i32
      %eq3A_137 = vector.broadcast %eq3A_136 : i32 to vector<16xi32>
      %eq3A_138 = arith.cmpi eq, %iota3A, %eq3A_137 : vector<16xi32>
      %xor3A_139 = arith.constant 1 : i32
      %xor3A_140 = vector.broadcast %xor3A_139 : i32 to vector<16xi32>
      %xor3A_141 = arith.xori %iota3A, %xor3A_140 : vector<16xi32>
      %broadcast_in_dim3A_142 = vector.shape_cast %xor3A_141 : vector<16xi32> to vector<16x1xi32>
      %gather3A_143 = vector.shape_cast %broadcast_in_dim3A_142 : vector<16x1xi32> to vector<16xi32>
      %gather3A_144 = tpu.dynamic_gather %scan3A_7#4[%gather3A_143] in [0] : vector<16xf32>, vector<16xi32> -> vector<16xf32>
      %add3A_145 = arith.addf %scan3A_7#4, %gather3A_144 : vector<16xf32>
      %xor3A_146 = arith.constant 2 : i32
      %xor3A_147 = vector.broadcast %xor3A_146 : i32 to vector<16xi32>
      %xor3A_148 = arith.xori %iota3A, %xor3A_147 : vector<16xi32>
      %broadcast_in_dim3A_149 = vector.shape_cast %xor3A_148 : vector<16xi32> to vector<16x1xi32>
      %gather3A_150 = vector.shape_cast %broadcast_in_dim3A_149 : vector<16x1xi32> to vector<16xi32>
      %gather3A_151 = tpu.dynamic_gather %add3A_145[%gather3A_150] in [0] : vector<16xf32>, vector<16xi32> -> vector<16xf32>
      %add3A_152 = arith.addf %add3A_145, %gather3A_151 : vector<16xf32>
      %xor3A_153 = arith.constant 4 : i32
      %xor3A_154 = vector.broadcast %xor3A_153 : i32 to vector<16xi32>
      %xor3A_155 = arith.xori %iota3A, %xor3A_154 : vector<16xi32>
      %broadcast_in_dim3A_156 = vector.shape_cast %xor3A_155 : vector<16xi32> to vector<16x1xi32>
      %gather3A_157 = vector.shape_cast %broadcast_in_dim3A_156 : vector<16x1xi32> to vector<16xi32>
      %gather3A_158 = tpu.dynamic_gather %add3A_152[%gather3A_157] in [0] : vector<16xf32>, vector<16xi32> -> vector<16xf32>
      %add3A_159 = arith.addf %add3A_152, %gather3A_158 : vector<16xf32>
      %xor3A_160 = arith.constant 8 : i32
      %xor3A_161 = vector.broadcast %xor3A_160 : i32 to vector<16xi32>
      %xor3A_162 = arith.xori %iota3A, %xor3A_161 : vector<16xi32>
      %broadcast_in_dim3A_163 = vector.shape_cast %xor3A_162 : vector<16xi32> to vector<16x1xi32>
      %gather3A_164 = vector.shape_cast %broadcast_in_dim3A_163 : vector<16x1xi32> to vector<16xi32>
      %gather3A_165 = tpu.dynamic_gather %add3A_159[%gather3A_164] in [0] : vector<16xf32>, vector<16xi32> -> vector<16xf32>
      %add3A_166 = arith.addf %add3A_159, %gather3A_165 : vector<16xf32>
      %select_n3A_167 = arith.select %eq3A_138, %add3A_166, %select_n3A_135 : vector<16xi1>, vector<16xf32>
      %eq3A_168 = arith.constant 5 : i32
      %eq3A_169 = vector.broadcast %eq3A_168 : i32 to vector<16xi32>
      %eq3A_170 = arith.cmpi eq, %iota3A, %eq3A_169 : vector<16xi32>
      %xor3A_171 = arith.constant 1 : i32
      %xor3A_172 = vector.broadcast %xor3A_171 : i32 to vector<16xi32>
      %xor3A_173 = arith.xori %iota3A, %xor3A_172 : vector<16xi32>
      %broadcast_in_dim3A_174 = vector.shape_cast %xor3A_173 : vector<16xi32> to vector<16x1xi32>
      %gather3A_175 = vector.shape_cast %broadcast_in_dim3A_174 : vector<16x1xi32> to vector<16xi32>
      %gather3A_176 = tpu.dynamic_gather %scan3A_7#5[%gather3A_175] in [0] : vector<16xf32>, vector<16xi32> -> vector<16xf32>
      %add3A_177 = arith.addf %scan3A_7#5, %gather3A_176 : vector<16xf32>
      %xor3A_178 = arith.constant 2 : i32
      %xor3A_179 = vector.broadcast %xor3A_178 : i32 to vector<16xi32>
      %xor3A_180 = arith.xori %iota3A, %xor3A_179 : vector<16xi32>
      %broadcast_in_dim3A_181 = vector.shape_cast %xor3A_180 : vector<16xi32> to vector<16x1xi32>
      %gather3A_182 = vector.shape_cast %broadcast_in_dim3A_181 : vector<16x1xi32> to vector<16xi32>
      %gather3A_183 = tpu.dynamic_gather %add3A_177[%gather3A_182] in [0] : vector<16xf32>, vector<16xi32> -> vector<16xf32>
      %add3A_184 = arith.addf %add3A_177, %gather3A_183 : vector<16xf32>
      %xor3A_185 = arith.constant 4 : i32
      %xor3A_186 = vector.broadcast %xor3A_185 : i32 to vector<16xi32>
      %xor3A_187 = arith.xori %iota3A, %xor3A_186 : vector<16xi32>
      %broadcast_in_dim3A_188 = vector.shape_cast %xor3A_187 : vector<16xi32> to vector<16x1xi32>
      %gather3A_189 = vector.shape_cast %broadcast_in_dim3A_188 : vector<16x1xi32> to vector<16xi32>
      %gather3A_190 = tpu.dynamic_gather %add3A_184[%gather3A_189] in [0] : vector<16xf32>, vector<16xi32> -> vector<16xf32>
      %add3A_191 = arith.addf %add3A_184, %gather3A_190 : vector<16xf32>
      %xor3A_192 = arith.constant 8 : i32
      %xor3A_193 = vector.broadcast %xor3A_192 : i32 to vector<16xi32>
      %xor3A_194 = arith.xori %iota3A, %xor3A_193 : vector<16xi32>
      %broadcast_in_dim3A_195 = vector.shape_cast %xor3A_194 : vector<16xi32> to vector<16x1xi32>
      %gather3A_196 = vector.shape_cast %broadcast_in_dim3A_195 : vector<16x1xi32> to vector<16xi32>
      %gather3A_197 = tpu.dynamic_gather %add3A_191[%gather3A_196] in [0] : vector<16xf32>, vector<16xi32> -> vector<16xf32>
      %add3A_198 = arith.addf %add3A_191, %gather3A_197 : vector<16xf32>
      %select_n3A_199 = arith.select %eq3A_170, %add3A_198, %select_n3A_167 : vector<16xi1>, vector<16xf32>
      %eq3A_200 = arith.constant 6 : i32
      %eq3A_201 = vector.broadcast %eq3A_200 : i32 to vector<16xi32>
      %eq3A_202 = arith.cmpi eq, %iota3A, %eq3A_201 : vector<16xi32>
      %xor3A_203 = arith.constant 1 : i32
      %xor3A_204 = vector.broadcast %xor3A_203 : i32 to vector<16xi32>
      %xor3A_205 = arith.xori %iota3A, %xor3A_204 : vector<16xi32>
      %broadcast_in_dim3A_206 = vector.shape_cast %xor3A_205 : vector<16xi32> to vector<16x1xi32>
      %gather3A_207 = vector.shape_cast %broadcast_in_dim3A_206 : vector<16x1xi32> to vector<16xi32>
      %gather3A_208 = tpu.dynamic_gather %scan3A_7#6[%gather3A_207] in [0] : vector<16xf32>, vector<16xi32> -> vector<16xf32>
      %add3A_209 = arith.addf %scan3A_7#6, %gather3A_208 : vector<16xf32>
      %xor3A_210 = arith.constant 2 : i32
      %xor3A_211 = vector.broadcast %xor3A_210 : i32 to vector<16xi32>
      %xor3A_212 = arith.xori %iota3A, %xor3A_211 : vector<16xi32>
      %broadcast_in_dim3A_213 = vector.shape_cast %xor3A_212 : vector<16xi32> to vector<16x1xi32>
      %gather3A_214 = vector.shape_cast %broadcast_in_dim3A_213 : vector<16x1xi32> to vector<16xi32>
      %gather3A_215 = tpu.dynamic_gather %add3A_209[%gather3A_214] in [0] : vector<16xf32>, vector<16xi32> -> vector<16xf32>
      %add3A_216 = arith.addf %add3A_209, %gather3A_215 : vector<16xf32>
      %xor3A_217 = arith.constant 4 : i32
      %xor3A_218 = vector.broadcast %xor3A_217 : i32 to vector<16xi32>
      %xor3A_219 = arith.xori %iota3A, %xor3A_218 : vector<16xi32>
      %broadcast_in_dim3A_220 = vector.shape_cast %xor3A_219 : vector<16xi32> to vector<16x1xi32>
      %gather3A_221 = vector.shape_cast %broadcast_in_dim3A_220 : vector<16x1xi32> to vector<16xi32>
      %gather3A_222 = tpu.dynamic_gather %add3A_216[%gather3A_221] in [0] : vector<16xf32>, vector<16xi32> -> vector<16xf32>
      %add3A_223 = arith.addf %add3A_216, %gather3A_222 : vector<16xf32>
      %xor3A_224 = arith.constant 8 : i32
      %xor3A_225 = vector.broadcast %xor3A_224 : i32 to vector<16xi32>
      %xor3A_226 = arith.xori %iota3A, %xor3A_225 : vector<16xi32>
      %broadcast_in_dim3A_227 = vector.shape_cast %xor3A_226 : vector<16xi32> to vector<16x1xi32>
      %gather3A_228 = vector.shape_cast %broadcast_in_dim3A_227 : vector<16x1xi32> to vector<16xi32>
      %gather3A_229 = tpu.dynamic_gather %add3A_223[%gather3A_228] in [0] : vector<16xf32>, vector<16xi32> -> vector<16xf32>
      %add3A_230 = arith.addf %add3A_223, %gather3A_229 : vector<16xf32>
      %select_n3A_231 = arith.select %eq3A_202, %add3A_230, %select_n3A_199 : vector<16xi1>, vector<16xf32>
      %eq3A_232 = arith.constant 7 : i32
      %eq3A_233 = vector.broadcast %eq3A_232 : i32 to vector<16xi32>
      %eq3A_234 = arith.cmpi eq, %iota3A, %eq3A_233 : vector<16xi32>
      %xor3A_235 = arith.constant 1 : i32
      %xor3A_236 = vector.broadcast %xor3A_235 : i32 to vector<16xi32>
      %xor3A_237 = arith.xori %iota3A, %xor3A_236 : vector<16xi32>
      %broadcast_in_dim3A_238 = vector.shape_cast %xor3A_237 : vector<16xi32> to vector<16x1xi32>
      %gather3A_239 = vector.shape_cast %broadcast_in_dim3A_238 : vector<16x1xi32> to vector<16xi32>
      %gather3A_240 = tpu.dynamic_gather %scan3A_7#7[%gather3A_239] in [0] : vector<16xf32>, vector<16xi32> -> vector<16xf32>
      %add3A_241 = arith.addf %scan3A_7#7, %gather3A_240 : vector<16xf32>
      %xor3A_242 = arith.constant 2 : i32
      %xor3A_243 = vector.broadcast %xor3A_242 : i32 to vector<16xi32>
      %xor3A_244 = arith.xori %iota3A, %xor3A_243 : vector<16xi32>
      %broadcast_in_dim3A_245 = vector.shape_cast %xor3A_244 : vector<16xi32> to vector<16x1xi32>
      %gather3A_246 = vector.shape_cast %broadcast_in_dim3A_245 : vector<16x1xi32> to vector<16xi32>
      %gather3A_247 = tpu.dynamic_gather %add3A_241[%gather3A_246] in [0] : vector<16xf32>, vector<16xi32> -> vector<16xf32>
      %add3A_248 = arith.addf %add3A_241, %gather3A_247 : vector<16xf32>
      %xor3A_249 = arith.constant 4 : i32
      %xor3A_250 = vector.broadcast %xor3A_249 : i32 to vector<16xi32>
      %xor3A_251 = arith.xori %iota3A, %xor3A_250 : vector<16xi32>
      %broadcast_in_dim3A_252 = vector.shape_cast %xor3A_251 : vector<16xi32> to vector<16x1xi32>
      %gather3A_253 = vector.shape_cast %broadcast_in_dim3A_252 : vector<16x1xi32> to vector<16xi32>
      %gather3A_254 = tpu.dynamic_gather %add3A_248[%gather3A_253] in [0] : vector<16xf32>, vector<16xi32> -> vector<16xf32>
      %add3A_255 = arith.addf %add3A_248, %gather3A_254 : vector<16xf32>
      %xor3A_256 = arith.constant 8 : i32
      %xor3A_257 = vector.broadcast %xor3A_256 : i32 to vector<16xi32>
      %xor3A_258 = arith.xori %iota3A, %xor3A_257 : vector<16xi32>
      %broadcast_in_dim3A_259 = vector.shape_cast %xor3A_258 : vector<16xi32> to vector<16x1xi32>
      %gather3A_260 = vector.shape_cast %broadcast_in_dim3A_259 : vector<16x1xi32> to vector<16xi32>
      %gather3A_261 = tpu.dynamic_gather %add3A_255[%gather3A_260] in [0] : vector<16xf32>, vector<16xi32> -> vector<16xf32>
      %add3A_262 = arith.addf %add3A_255, %gather3A_261 : vector<16xf32>
      %select_n3A_263 = arith.select %eq3A_234, %add3A_262, %select_n3A_231 : vector<16xi1>, vector<16xf32>
      %eq3A_264 = arith.constant 8 : i32
      %eq3A_265 = vector.broadcast %eq3A_264 : i32 to vector<16xi32>
      %eq3A_266 = arith.cmpi eq, %iota3A, %eq3A_265 : vector<16xi32>
      %xor3A_267 = arith.constant 1 : i32
      %xor3A_268 = vector.broadcast %xor3A_267 : i32 to vector<16xi32>
      %xor3A_269 = arith.xori %iota3A, %xor3A_268 : vector<16xi32>
      %broadcast_in_dim3A_270 = vector.shape_cast %xor3A_269 : vector<16xi32> to vector<16x1xi32>
      %gather3A_271 = vector.shape_cast %broadcast_in_dim3A_270 : vector<16x1xi32> to vector<16xi32>
      %gather3A_272 = tpu.dynamic_gather %scan3A_7#8[%gather3A_271] in [0] : vector<16xf32>, vector<16xi32> -> vector<16xf32>
      %add3A_273 = arith.addf %scan3A_7#8, %gather3A_272 : vector<16xf32>
      %xor3A_274 = arith.constant 2 : i32
      %xor3A_275 = vector.broadcast %xor3A_274 : i32 to vector<16xi32>
      %xor3A_276 = arith.xori %iota3A, %xor3A_275 : vector<16xi32>
      %broadcast_in_dim3A_277 = vector.shape_cast %xor3A_276 : vector<16xi32> to vector<16x1xi32>
      %gather3A_278 = vector.shape_cast %broadcast_in_dim3A_277 : vector<16x1xi32> to vector<16xi32>
      %gather3A_279 = tpu.dynamic_gather %add3A_273[%gather3A_278] in [0] : vector<16xf32>, vector<16xi32> -> vector<16xf32>
      %add3A_280 = arith.addf %add3A_273, %gather3A_279 : vector<16xf32>
      %xor3A_281 = arith.constant 4 : i32
      %xor3A_282 = vector.broadcast %xor3A_281 : i32 to vector<16xi32>
      %xor3A_283 = arith.xori %iota3A, %xor3A_282 : vector<16xi32>
      %broadcast_in_dim3A_284 = vector.shape_cast %xor3A_283 : vector<16xi32> to vector<16x1xi32>
      %gather3A_285 = vector.shape_cast %broadcast_in_dim3A_284 : vector<16x1xi32> to vector<16xi32>
      %gather3A_286 = tpu.dynamic_gather %add3A_280[%gather3A_285] in [0] : vector<16xf32>, vector<16xi32> -> vector<16xf32>
      %add3A_287 = arith.addf %add3A_280, %gather3A_286 : vector<16xf32>
      %xor3A_288 = arith.constant 8 : i32
      %xor3A_289 = vector.broadcast %xor3A_288 : i32 to vector<16xi32>
      %xor3A_290 = arith.xori %iota3A, %xor3A_289 : vector<16xi32>
      %broadcast_in_dim3A_291 = vector.shape_cast %xor3A_290 : vector<16xi32> to vector<16x1xi32>
      %gather3A_292 = vector.shape_cast %broadcast_in_dim3A_291 : vector<16x1xi32> to vector<16xi32>
      %gather3A_293 = tpu.dynamic_gather %add3A_287[%gather3A_292] in [0] : vector<16xf32>, vector<16xi32> -> vector<16xf32>
      %add3A_294 = arith.addf %add3A_287, %gather3A_293 : vector<16xf32>
      %select_n3A_295 = arith.select %eq3A_266, %add3A_294, %select_n3A_263 : vector<16xi1>, vector<16xf32>
      %eq3A_296 = arith.constant 9 : i32
      %eq3A_297 = vector.broadcast %eq3A_296 : i32 to vector<16xi32>
      %eq3A_298 = arith.cmpi eq, %iota3A, %eq3A_297 : vector<16xi32>
      %xor3A_299 = arith.constant 1 : i32
      %xor3A_300 = vector.broadcast %xor3A_299 : i32 to vector<16xi32>
      %xor3A_301 = arith.xori %iota3A, %xor3A_300 : vector<16xi32>
      %broadcast_in_dim3A_302 = vector.shape_cast %xor3A_301 : vector<16xi32> to vector<16x1xi32>
      %gather3A_303 = vector.shape_cast %broadcast_in_dim3A_302 : vector<16x1xi32> to vector<16xi32>
      %gather3A_304 = tpu.dynamic_gather %scan3A_7#9[%gather3A_303] in [0] : vector<16xf32>, vector<16xi32> -> vector<16xf32>
      %add3A_305 = arith.addf %scan3A_7#9, %gather3A_304 : vector<16xf32>
      %xor3A_306 = arith.constant 2 : i32
      %xor3A_307 = vector.broadcast %xor3A_306 : i32 to vector<16xi32>
      %xor3A_308 = arith.xori %iota3A, %xor3A_307 : vector<16xi32>
      %broadcast_in_dim3A_309 = vector.shape_cast %xor3A_308 : vector<16xi32> to vector<16x1xi32>
      %gather3A_310 = vector.shape_cast %broadcast_in_dim3A_309 : vector<16x1xi32> to vector<16xi32>
      %gather3A_311 = tpu.dynamic_gather %add3A_305[%gather3A_310] in [0] : vector<16xf32>, vector<16xi32> -> vector<16xf32>
      %add3A_312 = arith.addf %add3A_305, %gather3A_311 : vector<16xf32>
      %xor3A_313 = arith.constant 4 : i32
      %xor3A_314 = vector.broadcast %xor3A_313 : i32 to vector<16xi32>
      %xor3A_315 = arith.xori %iota3A, %xor3A_314 : vector<16xi32>
      %broadcast_in_dim3A_316 = vector.shape_cast %xor3A_315 : vector<16xi32> to vector<16x1xi32>
      %gather3A_317 = vector.shape_cast %broadcast_in_dim3A_316 : vector<16x1xi32> to vector<16xi32>
      %gather3A_318 = tpu.dynamic_gather %add3A_312[%gather3A_317] in [0] : vector<16xf32>, vector<16xi32> -> vector<16xf32>
      %add3A_319 = arith.addf %add3A_312, %gather3A_318 : vector<16xf32>
      %xor3A_320 = arith.constant 8 : i32
      %xor3A_321 = vector.broadcast %xor3A_320 : i32 to vector<16xi32>
      %xor3A_322 = arith.xori %iota3A, %xor3A_321 : vector<16xi32>
      %broadcast_in_dim3A_323 = vector.shape_cast %xor3A_322 : vector<16xi32> to vector<16x1xi32>
      %gather3A_324 = vector.shape_cast %broadcast_in_dim3A_323 : vector<16x1xi32> to vector<16xi32>
      %gather3A_325 = tpu.dynamic_gather %add3A_319[%gather3A_324] in [0] : vector<16xf32>, vector<16xi32> -> vector<16xf32>
      %add3A_326 = arith.addf %add3A_319, %gather3A_325 : vector<16xf32>
      %select_n3A_327 = arith.select %eq3A_298, %add3A_326, %select_n3A_295 : vector<16xi1>, vector<16xf32>
      %eq3A_328 = arith.constant 10 : i32
      %eq3A_329 = vector.broadcast %eq3A_328 : i32 to vector<16xi32>
      %eq3A_330 = arith.cmpi eq, %iota3A, %eq3A_329 : vector<16xi32>
      %xor3A_331 = arith.constant 1 : i32
      %xor3A_332 = vector.broadcast %xor3A_331 : i32 to vector<16xi32>
      %xor3A_333 = arith.xori %iota3A, %xor3A_332 : vector<16xi32>
      %broadcast_in_dim3A_334 = vector.shape_cast %xor3A_333 : vector<16xi32> to vector<16x1xi32>
      %gather3A_335 = vector.shape_cast %broadcast_in_dim3A_334 : vector<16x1xi32> to vector<16xi32>
      %gather3A_336 = tpu.dynamic_gather %scan3A_7#10[%gather3A_335] in [0] : vector<16xf32>, vector<16xi32> -> vector<16xf32>
      %add3A_337 = arith.addf %scan3A_7#10, %gather3A_336 : vector<16xf32>
      %xor3A_338 = arith.constant 2 : i32
      %xor3A_339 = vector.broadcast %xor3A_338 : i32 to vector<16xi32>
      %xor3A_340 = arith.xori %iota3A, %xor3A_339 : vector<16xi32>
      %broadcast_in_dim3A_341 = vector.shape_cast %xor3A_340 : vector<16xi32> to vector<16x1xi32>
      %gather3A_342 = vector.shape_cast %broadcast_in_dim3A_341 : vector<16x1xi32> to vector<16xi32>
      %gather3A_343 = tpu.dynamic_gather %add3A_337[%gather3A_342] in [0] : vector<16xf32>, vector<16xi32> -> vector<16xf32>
      %add3A_344 = arith.addf %add3A_337, %gather3A_343 : vector<16xf32>
      %xor3A_345 = arith.constant 4 : i32
      %xor3A_346 = vector.broadcast %xor3A_345 : i32 to vector<16xi32>
      %xor3A_347 = arith.xori %iota3A, %xor3A_346 : vector<16xi32>
      %broadcast_in_dim3A_348 = vector.shape_cast %xor3A_347 : vector<16xi32> to vector<16x1xi32>
      %gather3A_349 = vector.shape_cast %broadcast_in_dim3A_348 : vector<16x1xi32> to vector<16xi32>
      %gather3A_350 = tpu.dynamic_gather %add3A_344[%gather3A_349] in [0] : vector<16xf32>, vector<16xi32> -> vector<16xf32>
      %add3A_351 = arith.addf %add3A_344, %gather3A_350 : vector<16xf32>
      %xor3A_352 = arith.constant 8 : i32
      %xor3A_353 = vector.broadcast %xor3A_352 : i32 to vector<16xi32>
      %xor3A_354 = arith.xori %iota3A, %xor3A_353 : vector<16xi32>
      %broadcast_in_dim3A_355 = vector.shape_cast %xor3A_354 : vector<16xi32> to vector<16x1xi32>
      %gather3A_356 = vector.shape_cast %broadcast_in_dim3A_355 : vector<16x1xi32> to vector<16xi32>
      %gather3A_357 = tpu.dynamic_gather %add3A_351[%gather3A_356] in [0] : vector<16xf32>, vector<16xi32> -> vector<16xf32>
      %add3A_358 = arith.addf %add3A_351, %gather3A_357 : vector<16xf32>
      %select_n3A_359 = arith.select %eq3A_330, %add3A_358, %select_n3A_327 : vector<16xi1>, vector<16xf32>
      %eq3A_360 = arith.constant 11 : i32
      %eq3A_361 = vector.broadcast %eq3A_360 : i32 to vector<16xi32>
      %eq3A_362 = arith.cmpi eq, %iota3A, %eq3A_361 : vector<16xi32>
      %xor3A_363 = arith.constant 1 : i32
      %xor3A_364 = vector.broadcast %xor3A_363 : i32 to vector<16xi32>
      %xor3A_365 = arith.xori %iota3A, %xor3A_364 : vector<16xi32>
      %broadcast_in_dim3A_366 = vector.shape_cast %xor3A_365 : vector<16xi32> to vector<16x1xi32>
      %gather3A_367 = vector.shape_cast %broadcast_in_dim3A_366 : vector<16x1xi32> to vector<16xi32>
      %gather3A_368 = tpu.dynamic_gather %scan3A_7#11[%gather3A_367] in [0] : vector<16xf32>, vector<16xi32> -> vector<16xf32>
      %add3A_369 = arith.addf %scan3A_7#11, %gather3A_368 : vector<16xf32>
      %xor3A_370 = arith.constant 2 : i32
      %xor3A_371 = vector.broadcast %xor3A_370 : i32 to vector<16xi32>
      %xor3A_372 = arith.xori %iota3A, %xor3A_371 : vector<16xi32>
      %broadcast_in_dim3A_373 = vector.shape_cast %xor3A_372 : vector<16xi32> to vector<16x1xi32>
      %gather3A_374 = vector.shape_cast %broadcast_in_dim3A_373 : vector<16x1xi32> to vector<16xi32>
      %gather3A_375 = tpu.dynamic_gather %add3A_369[%gather3A_374] in [0] : vector<16xf32>, vector<16xi32> -> vector<16xf32>
      %add3A_376 = arith.addf %add3A_369, %gather3A_375 : vector<16xf32>
      %xor3A_377 = arith.constant 4 : i32
      %xor3A_378 = vector.broadcast %xor3A_377 : i32 to vector<16xi32>
      %xor3A_379 = arith.xori %iota3A, %xor3A_378 : vector<16xi32>
      %broadcast_in_dim3A_380 = vector.shape_cast %xor3A_379 : vector<16xi32> to vector<16x1xi32>
      %gather3A_381 = vector.shape_cast %broadcast_in_dim3A_380 : vector<16x1xi32> to vector<16xi32>
      %gather3A_382 = tpu.dynamic_gather %add3A_376[%gather3A_381] in [0] : vector<16xf32>, vector<16xi32> -> vector<16xf32>
      %add3A_383 = arith.addf %add3A_376, %gather3A_382 : vector<16xf32>
      %xor3A_384 = arith.constant 8 : i32
      %xor3A_385 = vector.broadcast %xor3A_384 : i32 to vector<16xi32>
      %xor3A_386 = arith.xori %iota3A, %xor3A_385 : vector<16xi32>
      %broadcast_in_dim3A_387 = vector.shape_cast %xor3A_386 : vector<16xi32> to vector<16x1xi32>
      %gather3A_388 = vector.shape_cast %broadcast_in_dim3A_387 : vector<16x1xi32> to vector<16xi32>
      %gather3A_389 = tpu.dynamic_gather %add3A_383[%gather3A_388] in [0] : vector<16xf32>, vector<16xi32> -> vector<16xf32>
      %add3A_390 = arith.addf %add3A_383, %gather3A_389 : vector<16xf32>
      %select_n3A_391 = arith.select %eq3A_362, %add3A_390, %select_n3A_359 : vector<16xi1>, vector<16xf32>
      %eq3A_392 = arith.constant 12 : i32
      %eq3A_393 = vector.broadcast %eq3A_392 : i32 to vector<16xi32>
      %eq3A_394 = arith.cmpi eq, %iota3A, %eq3A_393 : vector<16xi32>
      %xor3A_395 = arith.constant 1 : i32
      %xor3A_396 = vector.broadcast %xor3A_395 : i32 to vector<16xi32>
      %xor3A_397 = arith.xori %iota3A, %xor3A_396 : vector<16xi32>
      %broadcast_in_dim3A_398 = vector.shape_cast %xor3A_397 : vector<16xi32> to vector<16x1xi32>
      %gather3A_399 = vector.shape_cast %broadcast_in_dim3A_398 : vector<16x1xi32> to vector<16xi32>
      %gather3A_400 = tpu.dynamic_gather %scan3A_7#12[%gather3A_399] in [0] : vector<16xf32>, vector<16xi32> -> vector<16xf32>
      %add3A_401 = arith.addf %scan3A_7#12, %gather3A_400 : vector<16xf32>
      %xor3A_402 = arith.constant 2 : i32
      %xor3A_403 = vector.broadcast %xor3A_402 : i32 to vector<16xi32>
      %xor3A_404 = arith.xori %iota3A, %xor3A_403 : vector<16xi32>
      %broadcast_in_dim3A_405 = vector.shape_cast %xor3A_404 : vector<16xi32> to vector<16x1xi32>
      %gather3A_406 = vector.shape_cast %broadcast_in_dim3A_405 : vector<16x1xi32> to vector<16xi32>
      %gather3A_407 = tpu.dynamic_gather %add3A_401[%gather3A_406] in [0] : vector<16xf32>, vector<16xi32> -> vector<16xf32>
      %add3A_408 = arith.addf %add3A_401, %gather3A_407 : vector<16xf32>
      %xor3A_409 = arith.constant 4 : i32
      %xor3A_410 = vector.broadcast %xor3A_409 : i32 to vector<16xi32>
      %xor3A_411 = arith.xori %iota3A, %xor3A_410 : vector<16xi32>
      %broadcast_in_dim3A_412 = vector.shape_cast %xor3A_411 : vector<16xi32> to vector<16x1xi32>
      %gather3A_413 = vector.shape_cast %broadcast_in_dim3A_412 : vector<16x1xi32> to vector<16xi32>
      %gather3A_414 = tpu.dynamic_gather %add3A_408[%gather3A_413] in [0] : vector<16xf32>, vector<16xi32> -> vector<16xf32>
      %add3A_415 = arith.addf %add3A_408, %gather3A_414 : vector<16xf32>
      %xor3A_416 = arith.constant 8 : i32
      %xor3A_417 = vector.broadcast %xor3A_416 : i32 to vector<16xi32>
      %xor3A_418 = arith.xori %iota3A, %xor3A_417 : vector<16xi32>
      %broadcast_in_dim3A_419 = vector.shape_cast %xor3A_418 : vector<16xi32> to vector<16x1xi32>
      %gather3A_420 = vector.shape_cast %broadcast_in_dim3A_419 : vector<16x1xi32> to vector<16xi32>
      %gather3A_421 = tpu.dynamic_gather %add3A_415[%gather3A_420] in [0] : vector<16xf32>, vector<16xi32> -> vector<16xf32>
      %add3A_422 = arith.addf %add3A_415, %gather3A_421 : vector<16xf32>
      %select_n3A_423 = arith.select %eq3A_394, %add3A_422, %select_n3A_391 : vector<16xi1>, vector<16xf32>
      %eq3A_424 = arith.constant 13 : i32
      %eq3A_425 = vector.broadcast %eq3A_424 : i32 to vector<16xi32>
      %eq3A_426 = arith.cmpi eq, %iota3A, %eq3A_425 : vector<16xi32>
      %xor3A_427 = arith.constant 1 : i32
      %xor3A_428 = vector.broadcast %xor3A_427 : i32 to vector<16xi32>
      %xor3A_429 = arith.xori %iota3A, %xor3A_428 : vector<16xi32>
      %broadcast_in_dim3A_430 = vector.shape_cast %xor3A_429 : vector<16xi32> to vector<16x1xi32>
      %gather3A_431 = vector.shape_cast %broadcast_in_dim3A_430 : vector<16x1xi32> to vector<16xi32>
      %gather3A_432 = tpu.dynamic_gather %scan3A_7#13[%gather3A_431] in [0] : vector<16xf32>, vector<16xi32> -> vector<16xf32>
      %add3A_433 = arith.addf %scan3A_7#13, %gather3A_432 : vector<16xf32>
      %xor3A_434 = arith.constant 2 : i32
      %xor3A_435 = vector.broadcast %xor3A_434 : i32 to vector<16xi32>
      %xor3A_436 = arith.xori %iota3A, %xor3A_435 : vector<16xi32>
      %broadcast_in_dim3A_437 = vector.shape_cast %xor3A_436 : vector<16xi32> to vector<16x1xi32>
      %gather3A_438 = vector.shape_cast %broadcast_in_dim3A_437 : vector<16x1xi32> to vector<16xi32>
      %gather3A_439 = tpu.dynamic_gather %add3A_433[%gather3A_438] in [0] : vector<16xf32>, vector<16xi32> -> vector<16xf32>
      %add3A_440 = arith.addf %add3A_433, %gather3A_439 : vector<16xf32>
      %xor3A_441 = arith.constant 4 : i32
      %xor3A_442 = vector.broadcast %xor3A_441 : i32 to vector<16xi32>
      %xor3A_443 = arith.xori %iota3A, %xor3A_442 : vector<16xi32>
      %broadcast_in_dim3A_444 = vector.shape_cast %xor3A_443 : vector<16xi32> to vector<16x1xi32>
      %gather3A_445 = vector.shape_cast %broadcast_in_dim3A_444 : vector<16x1xi32> to vector<16xi32>
      %gather3A_446 = tpu.dynamic_gather %add3A_440[%gather3A_445] in [0] : vector<16xf32>, vector<16xi32> -> vector<16xf32>
      %add3A_447 = arith.addf %add3A_440, %gather3A_446 : vector<16xf32>
      %xor3A_448 = arith.constant 8 : i32
      %xor3A_449 = vector.broadcast %xor3A_448 : i32 to vector<16xi32>
      %xor3A_450 = arith.xori %iota3A, %xor3A_449 : vector<16xi32>
      %broadcast_in_dim3A_451 = vector.shape_cast %xor3A_450 : vector<16xi32> to vector<16x1xi32>
      %gather3A_452 = vector.shape_cast %broadcast_in_dim3A_451 : vector<16x1xi32> to vector<16xi32>
      %gather3A_453 = tpu.dynamic_gather %add3A_447[%gather3A_452] in [0] : vector<16xf32>, vector<16xi32> -> vector<16xf32>
      %add3A_454 = arith.addf %add3A_447, %gather3A_453 : vector<16xf32>
      %select_n3A_455 = arith.select %eq3A_426, %add3A_454, %select_n3A_423 : vector<16xi1>, vector<16xf32>
      %eq3A_456 = arith.constant 14 : i32
      %eq3A_457 = vector.broadcast %eq3A_456 : i32 to vector<16xi32>
      %eq3A_458 = arith.cmpi eq, %iota3A, %eq3A_457 : vector<16xi32>
      %xor3A_459 = arith.constant 1 : i32
      %xor3A_460 = vector.broadcast %xor3A_459 : i32 to vector<16xi32>
      %xor3A_461 = arith.xori %iota3A, %xor3A_460 : vector<16xi32>
      %broadcast_in_dim3A_462 = vector.shape_cast %xor3A_461 : vector<16xi32> to vector<16x1xi32>
      %gather3A_463 = vector.shape_cast %broadcast_in_dim3A_462 : vector<16x1xi32> to vector<16xi32>
      %gather3A_464 = tpu.dynamic_gather %scan3A_7#14[%gather3A_463] in [0] : vector<16xf32>, vector<16xi32> -> vector<16xf32>
      %add3A_465 = arith.addf %scan3A_7#14, %gather3A_464 : vector<16xf32>
      %xor3A_466 = arith.constant 2 : i32
      %xor3A_467 = vector.broadcast %xor3A_466 : i32 to vector<16xi32>
      %xor3A_468 = arith.xori %iota3A, %xor3A_467 : vector<16xi32>
      %broadcast_in_dim3A_469 = vector.shape_cast %xor3A_468 : vector<16xi32> to vector<16x1xi32>
      %gather3A_470 = vector.shape_cast %broadcast_in_dim3A_469 : vector<16x1xi32> to vector<16xi32>
      %gather3A_471 = tpu.dynamic_gather %add3A_465[%gather3A_470] in [0] : vector<16xf32>, vector<16xi32> -> vector<16xf32>
      %add3A_472 = arith.addf %add3A_465, %gather3A_471 : vector<16xf32>
      %xor3A_473 = arith.constant 4 : i32
      %xor3A_474 = vector.broadcast %xor3A_473 : i32 to vector<16xi32>
      %xor3A_475 = arith.xori %iota3A, %xor3A_474 : vector<16xi32>
      %broadcast_in_dim3A_476 = vector.shape_cast %xor3A_475 : vector<16xi32> to vector<16x1xi32>
      %gather3A_477 = vector.shape_cast %broadcast_in_dim3A_476 : vector<16x1xi32> to vector<16xi32>
      %gather3A_478 = tpu.dynamic_gather %add3A_472[%gather3A_477] in [0] : vector<16xf32>, vector<16xi32> -> vector<16xf32>
      %add3A_479 = arith.addf %add3A_472, %gather3A_478 : vector<16xf32>
      %xor3A_480 = arith.constant 8 : i32
      %xor3A_481 = vector.broadcast %xor3A_480 : i32 to vector<16xi32>
      %xor3A_482 = arith.xori %iota3A, %xor3A_481 : vector<16xi32>
      %broadcast_in_dim3A_483 = vector.shape_cast %xor3A_482 : vector<16xi32> to vector<16x1xi32>
      %gather3A_484 = vector.shape_cast %broadcast_in_dim3A_483 : vector<16x1xi32> to vector<16xi32>
      %gather3A_485 = tpu.dynamic_gather %add3A_479[%gather3A_484] in [0] : vector<16xf32>, vector<16xi32> -> vector<16xf32>
      %add3A_486 = arith.addf %add3A_479, %gather3A_485 : vector<16xf32>
      %select_n3A_487 = arith.select %eq3A_458, %add3A_486, %select_n3A_455 : vector<16xi1>, vector<16xf32>
      %eq3A_488 = arith.constant 15 : i32
      %eq3A_489 = vector.broadcast %eq3A_488 : i32 to vector<16xi32>
      %eq3A_490 = arith.cmpi eq, %iota3A, %eq3A_489 : vector<16xi32>
      %xor3A_491 = arith.constant 1 : i32
      %xor3A_492 = vector.broadcast %xor3A_491 : i32 to vector<16xi32>
      %xor3A_493 = arith.xori %iota3A, %xor3A_492 : vector<16xi32>
      %broadcast_in_dim3A_494 = vector.shape_cast %xor3A_493 : vector<16xi32> to vector<16x1xi32>
      %gather3A_495 = vector.shape_cast %broadcast_in_dim3A_494 : vector<16x1xi32> to vector<16xi32>
      %gather3A_496 = tpu.dynamic_gather %scan3A_7#15[%gather3A_495] in [0] : vector<16xf32>, vector<16xi32> -> vector<16xf32>
      %add3A_497 = arith.addf %scan3A_7#15, %gather3A_496 : vector<16xf32>
      %xor3A_498 = arith.constant 2 : i32
      %xor3A_499 = vector.broadcast %xor3A_498 : i32 to vector<16xi32>
      %xor3A_500 = arith.xori %iota3A, %xor3A_499 : vector<16xi32>
      %broadcast_in_dim3A_501 = vector.shape_cast %xor3A_500 : vector<16xi32> to vector<16x1xi32>
      %gather3A_502 = vector.shape_cast %broadcast_in_dim3A_501 : vector<16x1xi32> to vector<16xi32>
      %gather3A_503 = tpu.dynamic_gather %add3A_497[%gather3A_502] in [0] : vector<16xf32>, vector<16xi32> -> vector<16xf32>
      %add3A_504 = arith.addf %add3A_497, %gather3A_503 : vector<16xf32>
      %xor3A_505 = arith.constant 4 : i32
      %xor3A_506 = vector.broadcast %xor3A_505 : i32 to vector<16xi32>
      %xor3A_507 = arith.xori %iota3A, %xor3A_506 : vector<16xi32>
      %broadcast_in_dim3A_508 = vector.shape_cast %xor3A_507 : vector<16xi32> to vector<16x1xi32>
      %gather3A_509 = vector.shape_cast %broadcast_in_dim3A_508 : vector<16x1xi32> to vector<16xi32>
      %gather3A_510 = tpu.dynamic_gather %add3A_504[%gather3A_509] in [0] : vector<16xf32>, vector<16xi32> -> vector<16xf32>
      %add3A_511 = arith.addf %add3A_504, %gather3A_510 : vector<16xf32>
      %xor3A_512 = arith.constant 8 : i32
      %xor3A_513 = vector.broadcast %xor3A_512 : i32 to vector<16xi32>
      %xor3A_514 = arith.xori %iota3A, %xor3A_513 : vector<16xi32>
      %broadcast_in_dim3A_515 = vector.shape_cast %xor3A_514 : vector<16xi32> to vector<16x1xi32>
      %gather3A_516 = vector.shape_cast %broadcast_in_dim3A_515 : vector<16x1xi32> to vector<16xi32>
      %gather3A_517 = tpu.dynamic_gather %add3A_511[%gather3A_516] in [0] : vector<16xf32>, vector<16xi32> -> vector<16xf32>
      %add3A_518 = arith.addf %add3A_511, %gather3A_517 : vector<16xf32>
      %select_n3A_519 = arith.select %eq3A_490, %add3A_518, %select_n3A_487 : vector<16xi1>, vector<16xf32>
      %xor3A_520 = arith.constant 1 : i32
      %xor3A_521 = vector.broadcast %xor3A_520 : i32 to vector<16xi32>
      %xor3A_522 = arith.xori %iota3A, %xor3A_521 : vector<16xi32>
      %broadcast_in_dim3A_523 = vector.shape_cast %xor3A_522 : vector<16xi32> to vector<16x1xi32>
      %gather3A_524 = vector.shape_cast %broadcast_in_dim3A_523 : vector<16x1xi32> to vector<16xi32>
      %gather3A_525 = tpu.dynamic_gather %select_n3A_519[%gather3A_524] in [0] : vector<16xf32>, vector<16xi32> -> vector<16xf32>
      %max3A = arith.maximumf %select_n3A_519, %gather3A_525 : vector<16xf32>
      %xor3A_526 = arith.constant 2 : i32
      %xor3A_527 = vector.broadcast %xor3A_526 : i32 to vector<16xi32>
      %xor3A_528 = arith.xori %iota3A, %xor3A_527 : vector<16xi32>
      %broadcast_in_dim3A_529 = vector.shape_cast %xor3A_528 : vector<16xi32> to vector<16x1xi32>
      %gather3A_530 = vector.shape_cast %broadcast_in_dim3A_529 : vector<16x1xi32> to vector<16xi32>
      %gather3A_531 = tpu.dynamic_gather %max3A[%gather3A_530] in [0] : vector<16xf32>, vector<16xi32> -> vector<16xf32>
      %max3A_532 = arith.maximumf %max3A, %gather3A_531 : vector<16xf32>
      %xor3A_533 = arith.constant 4 : i32
      %xor3A_534 = vector.broadcast %xor3A_533 : i32 to vector<16xi32>
      %xor3A_535 = arith.xori %iota3A, %xor3A_534 : vector<16xi32>
      %broadcast_in_dim3A_536 = vector.shape_cast %xor3A_535 : vector<16xi32> to vector<16x1xi32>
      %gather3A_537 = vector.shape_cast %broadcast_in_dim3A_536 : vector<16x1xi32> to vector<16xi32>
      %gather3A_538 = tpu.dynamic_gather %max3A_532[%gather3A_537] in [0] : vector<16xf32>, vector<16xi32> -> vector<16xf32>
      %max3A_539 = arith.maximumf %max3A_532, %gather3A_538 : vector<16xf32>
      %xor3A_540 = arith.constant 8 : i32
      %xor3A_541 = vector.broadcast %xor3A_540 : i32 to vector<16xi32>
      %xor3A_542 = arith.xori %iota3A, %xor3A_541 : vector<16xi32>
      %broadcast_in_dim3A_543 = vector.shape_cast %xor3A_542 : vector<16xi32> to vector<16x1xi32>
      %gather3A_544 = vector.shape_cast %broadcast_in_dim3A_543 : vector<16x1xi32> to vector<16xi32>
      %gather3A_545 = tpu.dynamic_gather %max3A_539[%gather3A_544] in [0] : vector<16xf32>, vector<16xi32> -> vector<16xf32>
      %max3A_546 = arith.maximumf %max3A_539, %gather3A_545 : vector<16xf32>
      %eq3A_547 = arith.cmpf oeq, %select_n3A_519, %max3A_546 : vector<16xf32>
      %broadcast_in_dim3A_548 = arith.constant 16 : i32
      %broadcast_in_dim3A_549 = vector.broadcast %broadcast_in_dim3A_548 : i32 to vector<16xi32>
      %select_n3A_550 = arith.select %eq3A_547, %iota3A, %broadcast_in_dim3A_549 : vector<16xi1>, vector<16xi32>
      %xor3A_551 = arith.constant 1 : i32
      %xor3A_552 = vector.broadcast %xor3A_551 : i32 to vector<16xi32>
      %xor3A_553 = arith.xori %iota3A, %xor3A_552 : vector<16xi32>
      %broadcast_in_dim3A_554 = vector.shape_cast %xor3A_553 : vector<16xi32> to vector<16x1xi32>
      %gather3A_555 = vector.shape_cast %broadcast_in_dim3A_554 : vector<16x1xi32> to vector<16xi32>
      %gather3A_556 = tpu.dynamic_gather %select_n3A_550[%gather3A_555] in [0] : vector<16xi32>, vector<16xi32> -> vector<16xi32>
      %min3A = arith.minsi %select_n3A_550, %gather3A_556 : vector<16xi32>
      %xor3A_557 = arith.constant 2 : i32
      %xor3A_558 = vector.broadcast %xor3A_557 : i32 to vector<16xi32>
      %xor3A_559 = arith.xori %iota3A, %xor3A_558 : vector<16xi32>
      %broadcast_in_dim3A_560 = vector.shape_cast %xor3A_559 : vector<16xi32> to vector<16x1xi32>
      %gather3A_561 = vector.shape_cast %broadcast_in_dim3A_560 : vector<16x1xi32> to vector<16xi32>
      %gather3A_562 = tpu.dynamic_gather %min3A[%gather3A_561] in [0] : vector<16xi32>, vector<16xi32> -> vector<16xi32>
      %min3A_563 = arith.minsi %min3A, %gather3A_562 : vector<16xi32>
      %xor3A_564 = arith.constant 4 : i32
      %xor3A_565 = vector.broadcast %xor3A_564 : i32 to vector<16xi32>
      %xor3A_566 = arith.xori %iota3A, %xor3A_565 : vector<16xi32>
      %broadcast_in_dim3A_567 = vector.shape_cast %xor3A_566 : vector<16xi32> to vector<16x1xi32>
      %gather3A_568 = vector.shape_cast %broadcast_in_dim3A_567 : vector<16x1xi32> to vector<16xi32>
      %gather3A_569 = tpu.dynamic_gather %min3A_563[%gather3A_568] in [0] : vector<16xi32>, vector<16xi32> -> vector<16xi32>
      %min3A_570 = arith.minsi %min3A_563, %gather3A_569 : vector<16xi32>
      %xor3A_571 = arith.constant 8 : i32
      %xor3A_572 = vector.broadcast %xor3A_571 : i32 to vector<16xi32>
      %xor3A_573 = arith.xori %iota3A, %xor3A_572 : vector<16xi32>
      %broadcast_in_dim3A_574 = vector.shape_cast %xor3A_573 : vector<16xi32> to vector<16x1xi32>
      %gather3A_575 = vector.shape_cast %broadcast_in_dim3A_574 : vector<16x1xi32> to vector<16xi32>
      %gather3A_576 = tpu.dynamic_gather %min3A_570[%gather3A_575] in [0] : vector<16xi32>, vector<16xi32> -> vector<16xi32>
      %min3A_577 = arith.minsi %min3A_570, %gather3A_576 : vector<16xi32>
      %broadcast_in_dim3A_578 = arith.constant 0xFF800000 : f32
      %broadcast_in_dim3A_579 = vector.broadcast %broadcast_in_dim3A_578 : f32 to vector<16xf32>
      %eq3A_580 = arith.cmpi eq, %iota3A, %min3A_577 : vector<16xi32>
      %select_n3A_581 = arith.select %eq3A_580, %broadcast_in_dim3A_579, %select_n3A_519 : vector<16xi1>, vector<16xf32>
      %xor3A_582 = arith.constant 1 : i32
      %xor3A_583 = vector.broadcast %xor3A_582 : i32 to vector<16xi32>
      %xor3A_584 = arith.xori %iota3A, %xor3A_583 : vector<16xi32>
      %broadcast_in_dim3A_585 = vector.shape_cast %xor3A_584 : vector<16xi32> to vector<16x1xi32>
      %gather3A_586 = vector.shape_cast %broadcast_in_dim3A_585 : vector<16x1xi32> to vector<16xi32>
      %gather3A_587 = tpu.dynamic_gather %select_n3A_581[%gather3A_586] in [0] : vector<16xf32>, vector<16xi32> -> vector<16xf32>
      %max3A_588 = arith.maximumf %select_n3A_581, %gather3A_587 : vector<16xf32>
      %xor3A_589 = arith.constant 2 : i32
      %xor3A_590 = vector.broadcast %xor3A_589 : i32 to vector<16xi32>
      %xor3A_591 = arith.xori %iota3A, %xor3A_590 : vector<16xi32>
      %broadcast_in_dim3A_592 = vector.shape_cast %xor3A_591 : vector<16xi32> to vector<16x1xi32>
      %gather3A_593 = vector.shape_cast %broadcast_in_dim3A_592 : vector<16x1xi32> to vector<16xi32>
      %gather3A_594 = tpu.dynamic_gather %max3A_588[%gather3A_593] in [0] : vector<16xf32>, vector<16xi32> -> vector<16xf32>
      %max3A_595 = arith.maximumf %max3A_588, %gather3A_594 : vector<16xf32>
      %xor3A_596 = arith.constant 4 : i32
      %xor3A_597 = vector.broadcast %xor3A_596 : i32 to vector<16xi32>
      %xor3A_598 = arith.xori %iota3A, %xor3A_597 : vector<16xi32>
      %broadcast_in_dim3A_599 = vector.shape_cast %xor3A_598 : vector<16xi32> to vector<16x1xi32>
      %gather3A_600 = vector.shape_cast %broadcast_in_dim3A_599 : vector<16x1xi32> to vector<16xi32>
      %gather3A_601 = tpu.dynamic_gather %max3A_595[%gather3A_600] in [0] : vector<16xf32>, vector<16xi32> -> vector<16xf32>
      %max3A_602 = arith.maximumf %max3A_595, %gather3A_601 : vector<16xf32>
      %xor3A_603 = arith.constant 8 : i32
      %xor3A_604 = vector.broadcast %xor3A_603 : i32 to vector<16xi32>
      %xor3A_605 = arith.xori %iota3A, %xor3A_604 : vector<16xi32>
      %broadcast_in_dim3A_606 = vector.shape_cast %xor3A_605 : vector<16xi32> to vector<16x1xi32>
      %gather3A_607 = vector.shape_cast %broadcast_in_dim3A_606 : vector<16x1xi32> to vector<16xi32>
      %gather3A_608 = tpu.dynamic_gather %max3A_602[%gather3A_607] in [0] : vector<16xf32>, vector<16xi32> -> vector<16xf32>
      %max3A_609 = arith.maximumf %max3A_602, %gather3A_608 : vector<16xf32>
      %eq3A_610 = arith.cmpf oeq, %select_n3A_581, %max3A_609 : vector<16xf32>
      %broadcast_in_dim3A_611 = arith.constant 16 : i32
      %broadcast_in_dim3A_612 = vector.broadcast %broadcast_in_dim3A_611 : i32 to vector<16xi32>
      %select_n3A_613 = arith.select %eq3A_610, %iota3A, %broadcast_in_dim3A_612 : vector<16xi1>, vector<16xi32>
      %xor3A_614 = arith.constant 1 : i32
      %xor3A_615 = vector.broadcast %xor3A_614 : i32 to vector<16xi32>
      %xor3A_616 = arith.xori %iota3A, %xor3A_615 : vector<16xi32>
      %broadcast_in_dim3A_617 = vector.shape_cast %xor3A_616 : vector<16xi32> to vector<16x1xi32>
      %gather3A_618 = vector.shape_cast %broadcast_in_dim3A_617 : vector<16x1xi32> to vector<16xi32>
      %gather3A_619 = tpu.dynamic_gather %select_n3A_613[%gather3A_618] in [0] : vector<16xi32>, vector<16xi32> -> vector<16xi32>
      %min3A_620 = arith.minsi %select_n3A_613, %gather3A_619 : vector<16xi32>
      %xor3A_621 = arith.constant 2 : i32
      %xor3A_622 = vector.broadcast %xor3A_621 : i32 to vector<16xi32>
      %xor3A_623 = arith.xori %iota3A, %xor3A_622 : vector<16xi32>
      %broadcast_in_dim3A_624 = vector.shape_cast %xor3A_623 : vector<16xi32> to vector<16x1xi32>
      %gather3A_625 = vector.shape_cast %broadcast_in_dim3A_624 : vector<16x1xi32> to vector<16xi32>
      %gather3A_626 = tpu.dynamic_gather %min3A_620[%gather3A_625] in [0] : vector<16xi32>, vector<16xi32> -> vector<16xi32>
      %min3A_627 = arith.minsi %min3A_620, %gather3A_626 : vector<16xi32>
      %xor3A_628 = arith.constant 4 : i32
      %xor3A_629 = vector.broadcast %xor3A_628 : i32 to vector<16xi32>
      %xor3A_630 = arith.xori %iota3A, %xor3A_629 : vector<16xi32>
      %broadcast_in_dim3A_631 = vector.shape_cast %xor3A_630 : vector<16xi32> to vector<16x1xi32>
      %gather3A_632 = vector.shape_cast %broadcast_in_dim3A_631 : vector<16x1xi32> to vector<16xi32>
      %gather3A_633 = tpu.dynamic_gather %min3A_627[%gather3A_632] in [0] : vector<16xi32>, vector<16xi32> -> vector<16xi32>
      %min3A_634 = arith.minsi %min3A_627, %gather3A_633 : vector<16xi32>
      %xor3A_635 = arith.constant 8 : i32
      %xor3A_636 = vector.broadcast %xor3A_635 : i32 to vector<16xi32>
      %xor3A_637 = arith.xori %iota3A, %xor3A_636 : vector<16xi32>
      %broadcast_in_dim3A_638 = vector.shape_cast %xor3A_637 : vector<16xi32> to vector<16x1xi32>
      %gather3A_639 = vector.shape_cast %broadcast_in_dim3A_638 : vector<16x1xi32> to vector<16xi32>
      %gather3A_640 = tpu.dynamic_gather %min3A_634[%gather3A_639] in [0] : vector<16xi32>, vector<16xi32> -> vector<16xi32>
      %min3A_641 = arith.minsi %min3A_634, %gather3A_640 : vector<16xi32>
      %eq3A_642 = arith.constant 0 : i32
      %eq3A_643 = vector.broadcast %eq3A_642 : i32 to vector<16xi32>
      %eq3A_644 = arith.cmpi eq, %iota3A, %eq3A_643 : vector<16xi32>
      %select_n3A_645 = arith.select %eq3A_644, %min3A_577, %min3A_641 : vector<16xi1>, vector<16xi32>
      %swap3A = arith.constant 0 : index
      %swap3A_646 = tpu.vector_load %arg7[%swap3A] {strides = array<i32>} : memref<16xi32, #tpu.memory_space<vmem>>, vector<16xi32>,
      %swap3A_647 = vector.shape_cast %swap3A_646 : vector<16xi32> to vector<16xi32>
      %swap3A_648 = vector.shape_cast %select_n3A_645 : vector<16xi32> to vector<16xi32>
      tpu.vector_store %arg7[%swap3A], %swap3A_648 {strides = array<i32>} : memref<16xi32, #tpu.memory_space<vmem>>, vector<16xi32>,
      "tpu.region"() ({
        %run_scoped3A = tpu.sem_alloc : memref<!tpu.dma_semaphore, #tpu.memory_space<semaphore_mem>>
        tpu.enqueue_dma source(%arg7 : memref<16xi32, #tpu.memory_space<vmem>>) target(%arg4 : memref<16xi32, #tpu.memory_space<hbm>>) target_semaphore(%run_scoped3A : memref<!tpu.dma_semaphore, #tpu.memory_space<semaphore_mem>>)
        tpu.wait_dma2 semaphore(%run_scoped3A : memref<!tpu.dma_semaphore, #tpu.memory_space<semaphore_mem>>) src(%arg7 : memref<16xi32, #tpu.memory_space<vmem>>) dst(%arg4 : memref<16xi32, #tpu.memory_space<hbm>>)
        tpu.yield
      }) : () -> ()
    } else {
    }
    return
  }
}

module attributes {stable_mosaic.version = 14 : i64} {
  func.func @_proj_body(%arg0: i32, %arg1: memref<1x2048xf32, #tpu.memory_space<vmem>>, %arg2: memref<1024x2048xf32, #tpu.memory_space<vmem>>, %arg3: memref<1x1024xf32, #tpu.memory_space<vmem>>, %arg4: memref<1x1024xf32, #tpu.memory_space<vmem>>) attributes {dimension_semantics = [#tpu.dimension_semantics<arbitrary>], iteration_bounds = array<i64: 98>, scalar_prefetch = 0 : i64, scratch_operands = 0 : i64, tpu.core_type = #tpu.core_type<tc>, window_params = [{pipeline_mode = #tpu.pipeline_mode<synchronous>, transform_indices = @transform_0, window_bounds = array<i64: 1, 2048>}, {transform_indices = @transform_1, window_bounds = array<i64: 1024, 2048>}, {transform_indices = @transform_2, window_bounds = array<i64: 1, 1024>}, {transform_indices = @transform_3, window_bounds = array<i64: 1, 1024>}]} {
    %get3A = arith.constant 0 : index
    %get3A_0 = arith.constant 0 : index
    %get3A_1 = vector.load %arg1[%get3A, %get3A_0] : memref<1x2048xf32, #tpu.memory_space<vmem>>, vector<1x2048xf32>
    %get3A_2 = arith.constant 0 : index
    %get3A_3 = arith.constant 0 : index
    %get3A_4 = vector.load %arg2[%get3A_2, %get3A_3] : memref<1024x2048xf32, #tpu.memory_space<vmem>>, vector<1024x2048xf32>
    %dot_general3A = arith.constant dense<0.000000e+00> : vector<1x1024xf32>
    %dot_general3A_5 = tpu.matmul %get3A_1, %get3A_4, %dot_general3A {dimension_numbers = #tpu.dot_dimension_numbers<[1], [1], [0], [0], [0, 0, 1, 0], [], []>, transpose_lhs_hint = false} : vector<1x2048xf32>, vector<1024x2048xf32>, vector<1x1024xf32> -> vector<1x1024xf32>
    %get3A_6 = arith.constant 0 : index
    %get3A_7 = arith.constant 0 : index
    %get3A_8 = vector.load %arg3[%get3A_6, %get3A_7] : memref<1x1024xf32, #tpu.memory_space<vmem>>, vector<1x1024xf32>
    %add3A = arith.addf %dot_general3A_5, %get3A_8 : vector<1x1024xf32>
    %swap3A = arith.constant 0 : index
    %swap3A_9 = arith.constant 0 : index
    %swap3A_10 = vector.load %arg4[%swap3A, %swap3A_9] : memref<1x1024xf32, #tpu.memory_space<vmem>>, vector<1x1024xf32>
    tpu.vector_store %arg4[%swap3A, %swap3A_9], %add3A {strides = array<i32>} : memref<1x1024xf32, #tpu.memory_space<vmem>>, vector<1x1024xf32>,
    return
  }
  func.func @transform_0(%arg0: i32) -> (i32, i32) {
    %c0_i32 = arith.constant 0 : i32
    %c0_i32_0 = arith.constant 0 : i32
    %c0_i32_1 = arith.constant 0 : i32
    return %c0_i32, %c0_i32_0 : i32, i32
  }
  func.func @transform_1(%arg0: i32) -> (i32, i32) {
    %c0_i32 = arith.constant 0 : i32
    %c0_i32_0 = arith.constant 0 : i32
    return %arg0, %c0_i32 : i32, i32
  }
  func.func @transform_2(%arg0: i32) -> (i32, i32) {
    %c0_i32 = arith.constant 0 : i32
    %c0_i32_0 = arith.constant 0 : i32
    return %c0_i32, %arg0 : i32, i32
  }
  func.func @transform_3(%arg0: i32) -> (i32, i32) {
    %c0_i32 = arith.constant 0 : i32
    %c0_i32_0 = arith.constant 0 : i32
    return %c0_i32, %arg0 : i32, i32
  }
}

module attributes {stable_mosaic.version = 14 : i64} {
  func.func @_mean_body(%arg0: i32, %arg1: memref<512x2048xf32, #tpu.memory_space<vmem>>, %arg2: memref<1024x2048xf32, #tpu.memory_space<vmem>>, %arg3: memref<1024x2048xf32, #tpu.memory_space<vmem>>, %arg4: memref<1x2048xf32, #tpu.memory_space<vmem>>) attributes {dimension_semantics = [#tpu.dimension_semantics<arbitrary>], iteration_bounds = array<i64: 8>, scalar_prefetch = 0 : i64, scratch_operands = 0 : i64, tpu.core_type = #tpu.core_type<tc>, window_params = [{transform_indices = @transform_0, window_bounds = array<i64: 512, 2048>}, {pipeline_mode = #tpu.pipeline_mode<synchronous>, transform_indices = @transform_1, window_bounds = array<i64: 1024, 2048>}, {pipeline_mode = #tpu.pipeline_mode<synchronous>, transform_indices = @transform_2, window_bounds = array<i64: 1024, 2048>}, {pipeline_mode = #tpu.pipeline_mode<synchronous>, transform_indices = @transform_3, window_bounds = array<i64: 1, 2048>}]} {
    %get3A = arith.constant 0 : index
    %get3A_0 = arith.constant 0 : index
    %get3A_1 = vector.load %arg1[%get3A, %get3A_0] : memref<512x2048xf32, #tpu.memory_space<vmem>>, vector<512x2048xf32>
    %reduce_sum3A = arith.constant dense<0.000000e+00> : vector<2048xf32>
    %reduce_sum3A_2 = vector.multi_reduction <add>, %get3A_1, %reduce_sum3A [0] : vector<512x2048xf32> to vector<2048xf32>
    %broadcast_in_dim3A = vector.shape_cast %reduce_sum3A_2 : vector<2048xf32> to vector<1x2048xf32>
    %eq3A = arith.constant 0 : i32
    %eq3A_3 = arith.cmpi eq, %arg0, %eq3A : i32
    %convert_element_type3A = arith.extui %eq3A_3 : i1 to i32
    %cond3A = arith.constant 0 : i32
    %cond3A_4 = arith.cmpi ne, %convert_element_type3A, %cond3A : i32
    scf.if %cond3A_4 {
      %get3A_14 = arith.constant 0 : index
      %get3A_15 = arith.constant 0 : index
      %get3A_16 = vector.load %arg2[%get3A_14, %get3A_15] : memref<1024x2048xf32, #tpu.memory_space<vmem>>, vector<1024x2048xf32>
      %reduce_sum3A_17 = arith.constant dense<0.000000e+00> : vector<2048xf32>
      %reduce_sum3A_18 = vector.multi_reduction <add>, %get3A_16, %reduce_sum3A_17 [0] : vector<1024x2048xf32> to vector<2048xf32>
      %broadcast_in_dim3A_19 = vector.shape_cast %reduce_sum3A_18 : vector<2048xf32> to vector<1x2048xf32>
      %get3A_20 = arith.constant 0 : index
      %get3A_21 = arith.constant 0 : index
      %get3A_22 = vector.load %arg3[%get3A_20, %get3A_21] : memref<1024x2048xf32, #tpu.memory_space<vmem>>, vector<1024x2048xf32>
      %reduce_sum3A_23 = arith.constant dense<0.000000e+00> : vector<2048xf32>
      %reduce_sum3A_24 = vector.multi_reduction <add>, %get3A_22, %reduce_sum3A_23 [0] : vector<1024x2048xf32> to vector<2048xf32>
      %broadcast_in_dim3A_25 = vector.shape_cast %reduce_sum3A_24 : vector<2048xf32> to vector<1x2048xf32>
      %add3A = arith.addf %broadcast_in_dim3A_19, %broadcast_in_dim3A_25 : vector<1x2048xf32>
      %add3A_26 = arith.addf %broadcast_in_dim3A, %add3A : vector<1x2048xf32>
      %swap3A = arith.constant 0 : index
      %swap3A_27 = arith.constant 0 : index
      %swap3A_28 = vector.load %arg4[%swap3A, %swap3A_27] : memref<1x2048xf32, #tpu.memory_space<vmem>>, vector<1x2048xf32>
      tpu.vector_store %arg4[%swap3A, %swap3A_27], %add3A_26 {strides = array<i32>} : memref<1x2048xf32, #tpu.memory_space<vmem>>, vector<1x2048xf32>,
    } else {
    }
    %ne3A = arith.constant 0 : i32
    %ne3A_5 = arith.cmpi ne, %arg0, %ne3A : i32
    %convert_element_type3A_6 = arith.extui %ne3A_5 : i1 to i32
    %cond3A_7 = arith.constant 0 : i32
    %cond3A_8 = arith.cmpi ne, %convert_element_type3A_6, %cond3A_7 : i32
    scf.if %cond3A_8 {
      %get3A_14 = arith.constant 0 : index
      %get3A_15 = arith.constant 0 : index
      %get3A_16 = vector.load %arg4[%get3A_14, %get3A_15] : memref<1x2048xf32, #tpu.memory_space<vmem>>, vector<1x2048xf32>
      %add3A = arith.addf %get3A_16, %broadcast_in_dim3A : vector<1x2048xf32>
      %swap3A = arith.constant 0 : index
      %swap3A_17 = arith.constant 0 : index
      %swap3A_18 = vector.load %arg4[%swap3A, %swap3A_17] : memref<1x2048xf32, #tpu.memory_space<vmem>>, vector<1x2048xf32>
      tpu.vector_store %arg4[%swap3A, %swap3A_17], %add3A {strides = array<i32>} : memref<1x2048xf32, #tpu.memory_space<vmem>>, vector<1x2048xf32>,
    } else {
    }
    %eq3A_9 = arith.constant 7 : i32
    %eq3A_10 = arith.cmpi eq, %arg0, %eq3A_9 : i32
    %convert_element_type3A_11 = arith.extui %eq3A_10 : i1 to i32
    %cond3A_12 = arith.constant 0 : i32
    %cond3A_13 = arith.cmpi ne, %convert_element_type3A_11, %cond3A_12 : i32
    scf.if %cond3A_13 {
      %get3A_14 = arith.constant 0 : index
      %get3A_15 = arith.constant 0 : index
      %get3A_16 = vector.load %arg4[%get3A_14, %get3A_15] : memref<1x2048xf32, #tpu.memory_space<vmem>>, vector<1x2048xf32>
      %mul3A = arith.constant 1.62760422E-4 : f32
      %mul3A_17 = vector.broadcast %mul3A : f32 to vector<1x2048xf32>
      %mul3A_18 = arith.mulf %get3A_16, %mul3A_17 : vector<1x2048xf32>
      %swap3A = arith.constant 0 : index
      %swap3A_19 = arith.constant 0 : index
      %swap3A_20 = vector.load %arg4[%swap3A, %swap3A_19] : memref<1x2048xf32, #tpu.memory_space<vmem>>, vector<1x2048xf32>
      tpu.vector_store %arg4[%swap3A, %swap3A_19], %mul3A_18 {strides = array<i32>} : memref<1x2048xf32, #tpu.memory_space<vmem>>, vector<1x2048xf32>,
    } else {
    }
    return
  }
  func.func @transform_0(%arg0: i32) -> (i32, i32) {
    %c0_i32 = arith.constant 0 : i32
    %c0_i32_0 = arith.constant 0 : i32
    return %arg0, %c0_i32 : i32, i32
  }
  func.func @transform_1(%arg0: i32) -> (i32, i32) {
    %c0_i32 = arith.constant 0 : i32
    %c0_i32_0 = arith.constant 0 : i32
    %c0_i32_1 = arith.constant 0 : i32
    return %c0_i32, %c0_i32_0 : i32, i32
  }
  func.func @transform_2(%arg0: i32) -> (i32, i32) {
    %c0_i32 = arith.constant 0 : i32
    %c0_i32_0 = arith.constant 0 : i32
    %c0_i32_1 = arith.constant 0 : i32
    return %c0_i32, %c0_i32_0 : i32, i32
  }
  func.func @transform_3(%arg0: i32) -> (i32, i32) {
    %c0_i32 = arith.constant 0 : i32
    %c0_i32_0 = arith.constant 0 : i32
    %c0_i32_1 = arith.constant 0 : i32
    return %c0_i32, %c0_i32_0 : i32, i32
  }
}

</mosaic_0001>

<sc_bundles>
// kernel: kernel.5.cloned.1.call-start
scs
__scs_entry_jumppad:
0x0: {  	(pc) =	sbr.rel $0x88, $3  }
0x1: {  	(tag) =	ssettag $0x0;
	lr =	simm.s32 $0x1  }
0x2: {  	[smem:$0x3F9B] =	sst lr;
	_ =	strace $0xD0000000  }
0x3: {  	_ = 	snop  }
0x4: {  	_ = 	snop  }
0x5: {  	_ = 	snop  }
0x6: {  	_ = 	snop  }
0x7: {  	_ = 	snop  }
__scs_overlays_trampoline_lowered:
0x8: {  	[smem:$0x3FAA] =	sst s0  }
0x9: {  	[smem:$0x3FAB] =	sst s1  }
0xa: {  	[smem:$0x3FAC] =	sst s2  }
0xb: {  	[smem:$0x3FAD] =	sst s3  }
0xc: {  	[smem:$0x3FAE] =	sst s4  }
0xd: {  	[smem:$0x3FAF] =	sst s5  }
0xe: {  	[smem:$0x3FB0] =	sst s6  }
0xf: {  	[smem:$0x3FB1] =	sst s7  }
0x10: {  	[smem:$0x3FB2] =	sst s8  }
0x11: {  	[smem:$0x3FB3] =	sst s9;
	s0 =	simm.s32 @!p0 $0x0  }
0x12: {  	s1 =	sld [smem:$0x3F99];
	s0 =	simm.s32 @p0 $0x1  }
0x13: {  	[smem:$0x3FB4] =	sst s0;
	s0 =	simm.s32 @!p1 $0x0  }
0x14: {  	s2 =	sld [smem:$0x3F98];
	s0 =	simm.s32 @p1 $0x1  }
0x15: {  	[smem:$0x3FB5] =	sst s0;
	s0 =	simm.s32 @!p2 $0x0  }
0x16: {  	s3 =	sld [smem:$0x3FDB];
	s0 =	simm.s32 @p2 $0x1  }
0x17: {  	s4 =	simm.s32 $0x1BF5;
	[smem:$0x3FB7] =	sst s0  }
0x18: {  	s0 =	sld [smem:$0x3F9A];
	_ =	swait.ge [sflag:s4], $0x0  }
0x19: {  	s7 =	sld [smem:$0x3F9B]  }
0x1a: {  	s8 =	sadd.s32 $0xFFFFE003, lr  }
0x1b: {  	s9 =	sadd.s32 $0xFFFFFEF7, lr;
	s5 =	simm.s32 $0xFFFFFFFF;
	p2 =	slt.u32 s8, $0xFFFFF086  }
0x1c: {  	p1 =	slt.u32 s9, $0xF7A;
	s5 =	simm.s32 @!p2 $0x0  }
0x1d: {  	s5 =	simm.s32 @p1 $0x1;
	p0 =	seq.s32 s7, s2  }
0x1e: {  	s7 =	smul.u32 @!p0 $0xF7A, s2;
	p2 =	seq.s32 @!p0 s5, $0x0  }
0x1f: {  	s9 =	smul.u32 $0xF7A, s1;
	s8 =	simm.s32 @!p0 $0x1BF5;
	p2 =	por !p2, p0  }
0x20: {  	[sflag:s8] =	ssyncset.s32 @!p0 $0xFFFFF086;
	s6 =	sadd.s32 @!p0 s3, s7;
	s7 =	simm.s32 @!p0 $0x108  }
0x21: {  	s3 =	sadd.s32 s3, s9;
	s6 =	sadd.s32 @!p0 $0x88, s6;
	s7 =	simm.s32 @p2 $0x1082  }
0x22: {  	[simem:s7], [sflag:s8] =	dma.local @!p0 [hbm:s6], $0xF7A  }
0x23: {  	s9 =	sor.u32 $0xD0000000, s2;
	s6 =	simm.s32 $0x108;
	_ =	swait.ge @!p0 [sflag:s8], $0x0  }
0x24: {  	s3 =	sadd.s32 $0x88, s3;
	s6 =	simm.s32 @!p1 $0x1082;
	[sflag:s4] =	ssyncset.s32 $0xFFFFF086  }
0x25: {  	[simem:s6], [sflag:s4] =	dma.local [hbm:s3], $0xF7A  }
0x26: {  	[smem:$0x3F9B] =	sst s1;
	(tag) =	ssettag s2;
	_ =	strace s9  }
0x27: {  	s1 =	sld [smem:$0x3FAB]  }
0x28: {  	s2 =	sld [smem:$0x3FAC]  }
0x29: {  	s4 =	sld [smem:$0x3FAE]  }
0x2a: {  	p0 =	seq.s32 s5, $0x0;
	s5 =	sld [smem:$0x3FAF]  }
0x2b: {  	s6 =	sld [smem:$0x3FB0]  }
0x2c: {  	s7 =	sld [smem:$0x3FB1]  }
0x2d: {  	s3 =	simm.s32 $0x108;
	s8 =	sld [smem:$0x3FB2]  }
0x2e: {  	s3 =	simm.s32 @!p0 $0x1082;
	s9 =	sld [smem:$0x3FB3]  }
0x2f: {  	lr =	sadd.s32 s0, s3;
	s0 =	sld [smem:$0x3FAA]  }
0x30: {  	s3 =	sld [smem:$0x3FAD]  }
0x31: {  	[smem:$0x3FB6] =	sst s10  }
0x32: {  	s10 =	sld [smem:$0x3FB4];
	_ =	sdelay $0x3  }
0x33: {  	p0 =	seq.s32 s10, $0x1;
	s10 =	sld [smem:$0x3FB6];
	_ =	sdelay $0x3  }
0x34: {  	[smem:$0x3FB6] =	sst s10  }
0x35: {  	s10 =	sld [smem:$0x3FB5];
	_ =	sdelay $0x3  }
0x36: {  	p1 =	seq.s32 s10, $0x1;
	s10 =	sld [smem:$0x3FB6];
	_ =	sdelay $0x3  }
0x37: {  	[smem:$0x3FB6] =	sst s10  }
0x38: {  	s10 =	sld [smem:$0x3FB7]  }
0x39: {  	_ = 	snop;
	(pc) =	sbr.ind lr, $3  }
0x3a: {  	_ = 	snop  }
0x3b: {  	_ = 	snop  }
0x3c: {  	p2 =	seq.s32 s10, $0x1;
	s10 =	sld [smem:$0x3FB6]  }
0x3d: {  	_ =	shalt  }
0x3e: {  	_ =	shalt  }
0x3f: {  	_ =	shalt  }
0x40: {  	_ =	shalt  }
0x41: {  	_ =	shalt  }
0x42: {  	_ =	shalt  }
0x43: {  	_ =	shalt  }
0x44: {  	_ =	shalt  }
0x45: {  	_ =	shalt  }
0x46: {  	_ =	shalt  }
0x47: {  	_ =	shalt  }
0x48: {  	_ =	shalt  }
0x49: {  	_ =	shalt  }
0x4a: {  	_ =	shalt  }
0x4b: {  	_ =	shalt  }
0x4c: {  	_ =	shalt  }
0x4d: {  	_ =	shalt  }
0x4e: {  	_ =	shalt  }
0x4f: {  	_ =	shalt  }
0x50: {  	_ =	shalt  }
0x51: {  	_ =	shalt  }
0x52: {  	_ =	shalt  }
0x53: {  	_ =	shalt  }
0x54: {  	_ =	shalt  }
0x55: {  	_ =	shalt  }
0x56: {  	_ =	shalt  }
0x57: {  	_ =	shalt  }
0x58: {  	_ =	shalt  }
0x59: {  	_ =	shalt  }
0x5a: {  	_ =	shalt  }
0x5b: {  	_ =	shalt  }
0x5c: {  	_ =	shalt  }
0x5d: {  	_ =	shalt  }
0x5e: {  	_ =	shalt  }
0x5f: {  	_ =	shalt  }
0x60: {  	_ =	shalt  }
0x61: {  	_ =	shalt  }
0x62: {  	_ =	shalt  }
0x63: {  	_ =	shalt  }
0x64: {  	_ =	shalt  }
0x65: {  	_ =	shalt  }
0x66: {  	_ =	shalt  }
0x67: {  	_ =	shalt  }
0x68: {  	_ =	shalt  }
0x69: {  	_ =	shalt  }
0x6a: {  	_ =	shalt  }
0x6b: {  	_ =	shalt  }
0x6c: {  	_ =	shalt  }
0x6d: {  	_ =	shalt  }
0x6e: {  	_ =	shalt  }
0x6f: {  	_ =	shalt  }
0x70: {  	_ =	shalt  }
0x71: {  	_ =	shalt  }
0x72: {  	_ =	shalt  }
0x73: {  	_ =	shalt  }
0x74: {  	_ =	shalt  }
0x75: {  	_ =	shalt  }
0x76: {  	_ =	shalt  }
0x77: {  	_ =	shalt  }
0x78: {  	_ =	shalt  }
0x79: {  	_ =	shalt  }
0x7a: {  	_ =	shalt  }
0x7b: {  	_ =	shalt  }
0x7c: {  	_ =	shalt  }
0x7d: {  	_ =	shalt  }
0x7e: {  	_ =	shalt  }
0x7f: {  	_ =	shalt  }
0x80: {  	_ =	shalt  }
0x81: {  	_ =	shalt  }
0x82: {  	_ =	shalt  }
0x83: {  	_ =	shalt  }
0x84: {  	_ =	shalt  }
0x85: {  	_ =	shalt  }
0x86: {  	_ =	shalt  }
0x87: {  	_ =	shalt  }
.Lfunc_end0:
.L_simem_size_0:
called_computation_lowered:
.L_overlay_start_0:
0x88: {  	s2 =	sld [smem:$0x3FD9]  }
0x89: {  	s3 =	sld [smem:$0x3FFE];
	_ =	sdelay $0x1  }
0x8a: {  	s1 =	srdreg.scid  }
0x8b: {  	s0 =	sand.u32 $0x1, s1  }
0x8c: {  	s17 =	sshll.u32 s0, $0xA;
	s2 =	sadd.s32 s3, s2  }
0x8d: {  	s2 =	sadd.s32 s2, s17  }
0x8e: {  	[smem:$0x3FC2] =	sst s2  }
0x8f: {  	_ = 	snop  }
0x90: {  	s2 =	sld [smem:$0x3FC6];
	(tm) =	ssettm $0x1  }
0x91: {  	s18 =	sld [smem:$0x3FFB];
	_ =	sdelay $0x3  }
0x92: {  	_ =	strace s18  }
0x93: {  	s3 =	sld [smem:$0x3FFC];
	_ =	sdelay $0x3  }
0x94: {  	_ =	strace s3  }
0x95: {  	s3 =	sld [smem:$0x3FFD];
	_ =	sdelay $0x3  }
0x96: {  	_ =	strace s3  }
0x97: {  	_ =	strace $0x8FFFFFFF  }
0x98: {  	s19 =	sld [smem:$0x3FDB];
	_ =	sdelay $0x1  }
0x99: {  	s4 =	simm.s32 $_scs_section_size  }
0x9a: {  	s5 =	simm.s32 $_size__tile_overlayer_lowered;
	s6 =	simm.s32 $_tile_overlayer_lowered  }
0x9b: {  	s22 =	simm.s32 $0x1BFF;
	s21 =	sshll.u32 s6, $0x1;
	s3 =	sadd.s32 s4, s19  }
0x9c: {  	s7 =	simm.s32 $0x0;
	s20 =	sshll.u32 s5, $0x1;
	s5 =	sadd.s32 s21, s3  }
0x9d: {  	[timem:s7], [sflag:s22] =	dma.local [hbm:s5], s20  }
0x9e: {  	_ =	swait.ge [sflag:s22], s20  }
0x9f: {  	s4 =	ssub.s32 $0x0, s20;
	[sflag:s22] =	ssyncset.done $0x0  }
0xa0: {  	[sflag:s22] =	ssyncadd.s32 s4;
	_ =	sdelay $0x1  }
0xa1: {  	s23 =	simm.s32 $0x1B8B  }
0xa2: {  	_ =	swait.ge [sflag:s23], $0x1  }
0xa3: {  	[sflag:s23] =	ssyncset.done $0x0  }
0xa4: {  	s25 =	simm.s32 $0x1B8E;
	s24 =	sld [smem:$0x3FFE];
	[sflag:s23] =	ssyncadd.s32 $0xFFFFFFFF  }
0xa5: {  	s26 =	simm.s32 $execute0_lowered;
	[smem:$0x3FD2] =	sst s25  }
0xa6: {  	s5 =	sshll.u32 s26, $0x1;
	_ =	strace $0x80000046;
	[dreg:$0x1] =	wrdreg $0xFFFFFFFF  }
0xa7: {  	s28 =	simm.s32 $_size_execute0_lowered;
	s3 =	sadd.s32 s3, s5;
	[dreg:$0x0] =	wrdreg $0x0  }
0xa8: {  	s5 =	sshll.u32 s28, $0x1;
	[dreg:$0x2] =	wrdreg s3  }
0xa9: {  	[dreg:$0x3] =	wrdreg s5  }
0xaa: {  	[dreg:$0x4] =	wrdreg $0xC0  }
0xab: {  	_ =	task [dreg:s7], $0x5FFFF  }
0xac: {  	[dreg:$0x1] =	wrdreg $0xFFFFFFFF  }
0xad: {  	[dreg:$0x0] =	wrdreg $0x60  }
0xae: {  	[dreg:$0x2] =	wrdreg s24  }
0xaf: {  	[dreg:$0x3] =	wrdreg s2  }
0xb0: {  	[dreg:$0x4] =	wrdreg $0x9  }
0xb1: {  	_ =	task.clear_ibuf [dreg:s7], $0x5FFFF;
	_ =	strace $0x90000046  }
0xb2: {  	s29 =	simm.s32 $0x9;
	_ =	strace $0x80000048  }
0xb3: {  	_ =	swait.ge [sflag:s29], $0x1  }
0xb4: {  	[sflag:s29] =	ssyncadd.s32 $0xFFFFFFFF  }
0xb5: {  	_ =	strace $0x90000048  }
0xb6: {  	_ =	sfence  }
0xb7: {  	s30 =	sld [smem:$0x0];
	_ =	sdelay $0x2  }
0xb8: {  	s31 =	sshll.u32 s1, $0xD;
	s1 =	sshrl.u32 s1, $0x2  }
0xb9: {  	s3 =	sand.u32 $0x4000, s31;
	s1 =	sadd.s32 s1, s30  }
0xba: {  	s0 =	sor.u32 s3, s0;
	s1 =	sshll.u32 s1, $0x11  }
0xbb: {  	s0 =	sor.u32 s1, s0  }
0xbc: {  	s0 =	sadd.s32 $0x8F2B, s0  }
0xbd: {  	[sflag:s0] =	ssyncadd.remote.s32 $0x1  }
0xbe: {  	_ =	sfence.sel $0xFFFF  }
0xbf: {  	[dreg:$0x0] =	wrdreg $0xFFFFFFFF;
	(pc) =	sbr.abs _section_cstart, $3  }
0xc0: {  	[dreg:$0x1] =	wrdreg $0xFFFFFFFF  }
0xc1: {  	_ =	task.clear_ibuf [dreg:s7], $0x2FFFF;
	_ =	strace $0x9FFFFFFF  }
0xc2: {  	(tm) =	ssettm $0x7FFFFFFF  }
0xc3: {  	_ =	shalt  }
tec
execute0_lowered:
.L_overlay_start_1:
0x0: {  	(tag) =	ssettag $0x1  }
0x1: {  	s0 =	srdreg.scid  }
0x2: {  	s3 =	sand.u32 $0x1, s0;
	s0 =	stileid.u32  }
0x3: {  	s5 =	sshll.u32 s0, $0x1;
	s6 =	ssub.s32 $0x0, s3  }
0x4: {  	p0 =	sne.s32 s5, s6  }
.Ltmp0:
0x5: {  	_ = 	snop;
	(pc) =	sbr.rel @p0 .LBB2_5-.Ltmp0, $4  }
0x6: {  	_ = 	snop  }
0x7: {  	s4 =	rddreg [dreg:$0x0]  }
0x8: {  	s2 =	rddreg [dreg:$0x1]  }
0x9: {  	s1 =	rddreg [dreg:$0x2];
	_ =	strace $0x80000047  }
0xa: {  	v0 =	vimm.s32 $0xEFCDAB89;
	v1 =	vimm.s32 $0x67452301;
	v2 =	vimm.s32 $0xDCFE98BA  }
0xb: {  	v3 =	vimm.s32 $0x54761032;
	v4 =	vimm.s32 $0xBA98FEDC;
	v5 =	vimm.s32 $0x32107654  }
0xc: {  	v6 =	vimm.s32 $0xFEDCBA98;
	v7 =	vimm.s32 $0x76543210;
	vm0 =	vmmov $0x1  }
0xd: {  	vm1 =	vmmov $0x3;
	vm2 =	vmmov $0x7;
	vm3 =	vmmov $0xf  }
0xe: {  	vm4 =	vmmov $0x1f;
	vm5 =	vmmov $0x3f;
	vm6 =	vmmov $0x7f  }
0xf: {  	vm7 =	vmmov $0xff;
	vm8 =	vmmov $0x1ff;
	vm9 =	vmmov $0x3ff  }
0x10: {  	vm10 =	vmmov $0x7ff;
	vm11 =	vmmov $0xfff;
	vm12 =	vmmov $0x1fff  }
0x11: {  	vm13 =	vmmov $0x3fff;
	v0 =	vunpack.c.l.s4.s8 v0;
	v1 =	vunpack.c.l.s4.s8 v1  }
0x12: {  	v2 =	vunpack.c.l.s4.s8 v2;
	v3 =	vunpack.c.l.s4.s8 v3;
	v4 =	vunpack.c.l.s4.s8 v4  }
0x13: {  	v5 =	vunpack.c.l.s4.s8 v5;
	v6 =	vunpack.c.l.s4.s8 v6;
	v0 =	vunpack.c.0.s8.s32 v0  }
0x14: {  	v1 =	vunpack.c.0.s8.s32 v1;
	v2 =	vunpack.c.0.s8.s32 v2;
	v3 =	vunpack.c.0.s8.s32 v3  }
0x15: {  	v7 =	vunpack.c.l.s4.s8 v7;
	v4 =	vunpack.c.0.s8.s32 v4;
	v5 =	vunpack.c.0.s8.s32 v5  }
0x16: {  	s3 =	ssub.s32 $0x2, s3;
	s6 =	simm.s32 $0x0;
	s7 =	simm.s32 $0x2;
	v0 =	vcombine.low v1, v0;
	v1 =	vcombine.low v3, v2;
	v2 =	vunpack.c.0.s8.s32 v6  }
0x17: {  	s8 =	simm.s32 $0x800;
	s9 =	simm.s32 $0x1;
	vm14 =	vmmov $0x7fff;
	s5 =	sshrl.u32 s3, $0x1;
	v3 =	vcombine.low v5, v4;
	v4 =	vunpack.c.0.s8.s32 v7  }
0x18: {  	s10 =	simm.s32 $0x8800;
	s11 =	simm.s32 $0x0;
	s5 =	ssub.s32 s3, s5;
	v0 =	vand.u32 $0xF, v0;
	v1 =	vand.u32 $0xF, v1;
	v5 =	vand.u32 $0xF, v2  }
0x19: {  	s3 =	sadd.s32 $0xE00, s4;
	s4 =	sadd.s32 $0x1000, s4;
	s5 =	smax.u32 s5, $0x1;
	v2 =	vand.u32 $0xF, v3;
	v3 =	vcombine.low v5, v4;
	v4 =	vlaneseq.u32  }
.LBB2_2:
0x1a: {  	[tilespmem:s6], [sflag:$0x2] =	stream.linear.gather [hbm4b:s3+s6], $0x800, $0x38;
	[tilespmem:$0x8880] =	vst v63  }
0x1b: {  	_ =	swait.ge [sflag:s7], $0x800  }
0x1c: {  	[sflag:s7] =	ssyncset.done $0x0  }
0x1d: {  	[sflag:s7] =	ssyncadd.s32 $0xFFFFF800  }
0x1e: {  	[tilespmem:s8], [sflag:$0x1] =	stream.linear.gather [hbm4b:s2+s6], $0x8000, $0x38;
	[tilespmem:$0x8880] =	vst v63  }
0x1f: {  	_ =	swait.ge [sflag:s9], $0x8000  }
0x20: {  	s13 =	sand.u32 $0x60, s6;
	s15 =	sand.u32 $0x780, s6;
	[sflag:s9] =	ssyncset.done $0x0  }
0x21: {  	s14 =	sand.u32 $0x3C00, s6;
	s12 =	sor.u32 $0x10, s13;
	[sflag:s9] =	ssyncadd.s32 $0xFFFF8000  }
0x22: {  	s18 =	sadd.s32 $0x800, s14;
	s15 =	sor.u32 s12, s15;
	v6 =	vld [tilespmem:s6+$0x0]  }
0x23: {  	s28 =	sor.u32 s12, s18;
	v5 =	vld [tilespmem:s15+$0x0]  }
0x24: {  	v7 =	vld [tilespmem:s28+$0x0]  }
0x25: {  	v8 =	vld [tilespmem:s28+$0x80]  }
0x26: {  	v9 =	vld [tilespmem:s28+$0x100]  }
0x27: {  	v10 =	vld [tilespmem:s28+$0x180]  }
0x28: {  	s20 =	sadd.s32 $0x4800, s14;
	v11 =	vld [tilespmem:s28+$0x200]  }
0x29: {  	s21 =	sadd.s32 $0x4880, s14;
	s29 =	sor.u32 s12, s20;
	v12 =	vld [tilespmem:s28+$0x280]  }
0x2a: {  	s16 =	sadd.s32 $0x4900, s14;
	s30 =	sor.u32 s12, s21;
	v13 =	vld [tilespmem:s29+$0x0]  }
0x2b: {  	s17 =	sor.u32 s12, s16;
	v14 =	vld [tilespmem:s30+$0x0]  }
0x2c: {  	s18 =	sor.u32 s13, s18;
	v15 =	vld [tilespmem:s17+$0x0]  }
0x2d: {  	v19 =	vld [tilespmem:s18+$0x0]  }
0x2e: {  	s15 =	sadd.s32 $0x4980, s14;
	v20 =	vld [tilespmem:s18+$0x80]  }
0x2f: {  	s17 =	sadd.s32 $0x4A00, s14;
	v21 =	vld [tilespmem:s18+$0x100];
	s19 =	sor.u32 s12, s15  }
0x30: {  	s22 =	sor.u32 s12, s17;
	v16 =	vld [tilespmem:s19+$0x0];
	s19 =	sadd.s32 $0x4A80, s14  }
0x31: {  	v17 =	vld [tilespmem:s22+$0x0];
	s31 =	sor.u32 s12, s19  }
0x32: {  	v18 =	vld [tilespmem:s31+$0x0];
	v7 =	vmul.f32 v7, v5;
	v8 =	vmul.f32 v8, v5  }
0x33: {  	v31 =	vmul.f32 v9, v5;
	v9 =	vld [tilespmem:s18+$0x180];
	v32 =	vmul.f32 v10, v5  }
0x34: {  	v29 =	vmul.f32 v11, v5;
	v10 =	vld [tilespmem:s18+$0x200];
	v30 =	vmul.f32 v12, v5  }
0x35: {  	s23 =	sand.u32 $0x3, s6;
	s24 =	sor.u32 s13, s20;
	v24 =	vmul.f32 v13, v5;
	v12 =	vld [tilespmem:s18+$0x280];
	v25 =	vmul.f32 v14, v5  }
0x36: {  	s22 =	sshll.u32 s23, $0x5;
	v26 =	vmul.f32 v15, v5;
	v14 =	vld [tilespmem:s24+$0x0];
	v23 =	vmul.f32 v16, v5  }
0x37: {  	s26 =	sor.u32 s13, s21;
	s25 =	sadd.s32 $0x0, s22;
	v13 =	vmul.f32 v17, v5;
	v17 =	vmul.f32 v19, v6  }
0x38: {  	v22 =	vimm.f32 $0.0e+00;
	s28 =	sor.u32 $0x300, s25;
	v16 =	vld [tilespmem:s26+$0x0];
	v11 =	vmul.f32 v18, v5;
	v18 =	vmul.f32 v20, v6  }
0x39: {  	v15 =	vimm.f32 $0.0e+00;
	v19 =	vld [tilespmem:s28+$0x800];
	v20 =	vmul.f32 v21, v6;
	v9 =	vmul.f32 v9, v6  }
0x3a: {  	v21 =	vimm.f32 $0.0e+00;
	v35 =	vmul.f32 v10, v6;
	v36 =	vmul.f32 v12, v6  }
0x3b: {  	s29 =	sadd.s32 $0x10, s25;
	s20 =	sor.u32 $0x380, s25;
	v10 =	vadd.f32 v17, v15;
	v33 =	vmul.f32 v14, v6;
	v17 =	vimm.f32 $0.0e+00  }
0x3c: {  	s30 =	sor.u32 $0x300, s29;
	v41 =	vld [tilespmem:s20+$0x800];
	v14 =	vimm.f32 $0.0e+00;
	v12 =	vadd.f32 v18, v15;
	v27 =	vadd.f32 v20, v15  }
0x3d: {  	s18 =	sor.u32 $0x380, s29;
	v38 =	vld [tilespmem:s30+$0x800];
	v20 =	vimm.f32 $0.0e+00;
	v18 =	vimm.f32 $0.0e+00;
	v28 =	vadd.f32 v9, v15  }
0x3e: {  	s16 =	sor.u32 s13, s16;
	v37 =	vld [tilespmem:s18+$0x800];
	v34 =	vmul.f32 v16, v6;
	v9 =	vadd.f32 v7, v10;
	v42 =	vmul.f32 v19, v6  }
0x3f: {  	v39 =	vld [tilespmem:s16+$0x0];
	s16 =	simm.s32 $0x0;
	s31 =	sor.u32 s13, s15;
	s15 =	simm.s32 $0x20;
	v19 =	vimm.f32 $0.0e+00;
	v16 =	vimm.f32 $0.0e+00;
	v7 =	vimm.f32 $0.0e+00  }
0x40: {  	s20 =	sor.u32 s13, s17;
	v40 =	vld [tilespmem:s31+$0x0];
	s17 =	simm.s32 $0x0;
	s18 =	simm.s32 $0x0;
	v10 =	vadd.f32 v8, v12;
	v12 =	vimm.f32 $0.0e+00;
	v8 =	vimm.f32 $0.0e+00  }
.LBB2_3:
0x41: {  	p0 =	sne.s32 s15, $0x7E0;
	v27 =	vadd.f32 v31, v27;
	v28 =	vadd.f32 v32, v28;
	v31 =	vmul.f32 v41, v6;
	v32 =	vld [tilespmem:s20+$0x0];
	s19 =	sor.u32 s13, s19;
	s20 =	sadd.s32 $0x4B00, s14  }
0x42: {  	v15 =	vadd.f32 v35, v15;
	v21 =	vadd.f32 v36, v21;
	s14 =	sadd.s32 $0x4B80, s14;
	v35 =	vmul.f32 v38, v5;
	v36 =	vld [tilespmem:s19+$0x0];
	s19 =	sor.u32 s13, s20  }
0x43: {  	v20 =	vadd.f32 v42, v20;
	s13 =	sor.u32 s13, s14;
	v22 =	vadd.f32 v31, v22;
	v31 =	vmul.f32 v37, v5;
	v37 =	vld [tilespmem:s19+$0x0]  }
0x44: {  	s16 =	sadd.s32 $0x100, s16;
	v15 =	vadd.f32 v29, v15;
	v21 =	vadd.f32 v30, v21;
	s19 =	sor.u32 s12, s20;
	v29 =	vmul.f32 v39, v6;
	v30 =	vld [tilespmem:s13+$0x0]  }
0x45: {  	s17 =	sadd.s32 $0x20, s17;
	s13 =	sand.u32 $0x60, s15;
	v20 =	vadd.f32 v35, v20;
	v22 =	vadd.f32 v31, v22;
	v31 =	vmul.f32 v40, v6;
	v35 =	vld [tilespmem:s19+$0x0];
	s19 =	sor.u32 s12, s14  }
0x46: {  	v18 =	vadd.f32 v33, v18;
	v19 =	vadd.f32 v34, v19;
	s20 =	sand.u32 $0x780, s15;
	s12 =	sor.u32 $0x10, s13;
	s14 =	sand.u32 $0x3C00, s16;
	v32 =	vmul.f32 v32, v6;
	v33 =	vld [tilespmem:s19+$0x0]  }
0x47: {  	s19 =	sor.u32 s12, s20;
	s23 =	sadd.s32 $0x800, s14;
	v16 =	vadd.f32 v29, v16;
	v34 =	vld [tilespmem:s17+$0x0];
	v17 =	vadd.f32 v31, v17;
	v29 =	vmul.f32 v36, v6  }
0x48: {  	v18 =	vadd.f32 v24, v18;
	v19 =	vadd.f32 v25, v19;
	v31 =	vld [tilespmem:s19+$0x0];
	s19 =	sor.u32 s12, s23;
	v24 =	vmul.f32 v37, v6  }
0x49: {  	v16 =	vadd.f32 v26, v16;
	v25 =	vld [tilespmem:s19+$0x0];
	v17 =	vadd.f32 v23, v17;
	v30 =	vmul.f32 v30, v6  }
0x4a: {  	v14 =	vadd.f32 v32, v14;
	v12 =	vadd.f32 v29, v12;
	v23 =	vld [tilespmem:s19+$0x80];
	v26 =	vmul.f32 v35, v5  }
0x4b: {  	v7 =	vadd.f32 v24, v7;
	v29 =	vld [tilespmem:s19+$0x100];
	v8 =	vadd.f32 v30, v8;
	v30 =	vmul.f32 v33, v5  }
0x4c: {  	v14 =	vadd.f32 v13, v14;
	v12 =	vadd.f32 v11, v12;
	v24 =	vld [tilespmem:s19+$0x180];
	v6 =	vmov v34  }
0x4d: {  	s24 =	sadd.s32 $0x4800, s14;
	v7 =	vadd.f32 v26, v7;
	v11 =	vld [tilespmem:s19+$0x200];
	v8 =	vadd.f32 v30, v8;
	v5 =	vmov v31  }
0x4e: {  	s25 =	sadd.s32 $0x4880, s14;
	v13 =	vld [tilespmem:s19+$0x280];
	s19 =	sor.u32 s12, s24  }
0x4f: {  	s22 =	sadd.s32 $0x4900, s14;
	v26 =	vld [tilespmem:s19+$0x0];
	s19 =	sor.u32 s12, s25  }
0x50: {  	s21 =	sadd.s32 $0x4980, s14;
	v33 =	vld [tilespmem:s19+$0x0];
	s19 =	sor.u32 s12, s22  }
0x51: {  	s20 =	sadd.s32 $0x4A00, s14;
	v34 =	vld [tilespmem:s19+$0x0];
	s19 =	sor.u32 s12, s21  }
0x52: {  	s26 =	sor.u32 s12, s20;
	v35 =	vld [tilespmem:s19+$0x0];
	s19 =	sadd.s32 $0x4A80, s14  }
0x53: {  	v36 =	vld [tilespmem:s26+$0x0];
	s26 =	sor.u32 s12, s19  }
0x54: {  	s23 =	sor.u32 s13, s23;
	v37 =	vld [tilespmem:s26+$0x0]  }
0x55: {  	v38 =	vld [tilespmem:s23+$0x0]  }
0x56: {  	v39 =	vld [tilespmem:s23+$0x80]  }
0x57: {  	v40 =	vmul.f32 v25, v5;
	v42 =	vmul.f32 v23, v5;
	v41 =	vld [tilespmem:s23+$0x100]  }
0x58: {  	s18 =	sadd.s32 $0x1, s18;
	v31 =	vmul.f32 v29, v5;
	v32 =	vmul.f32 v24, v5;
	v43 =	vld [tilespmem:s23+$0x180]  }
0x59: {  	v29 =	vmul.f32 v11, v5;
	v30 =	vmul.f32 v13, v5;
	s26 =	sand.u32 $0x3, s18;
	v44 =	vld [tilespmem:s23+$0x200]  }
0x5a: {  	v24 =	vmul.f32 v26, v5;
	s26 =	sshll.u32 s26, $0x5;
	v25 =	vmul.f32 v33, v5;
	v45 =	vld [tilespmem:s23+$0x280];
	s23 =	sor.u32 s13, s24  }
0x5b: {  	v26 =	vmul.f32 v34, v5;
	v23 =	vmul.f32 v35, v5;
	s24 =	sadd.s32 s26, s16;
	v33 =	vld [tilespmem:s23+$0x0];
	s23 =	sor.u32 s13, s25  }
0x5c: {  	v13 =	vmul.f32 v36, v5;
	v11 =	vmul.f32 v37, v5;
	s25 =	sor.u32 $0x300, s24;
	v34 =	vld [tilespmem:s23+$0x0]  }
0x5d: {  	v37 =	vmul.f32 v38, v6;
	v39 =	vmul.f32 v39, v6;
	s23 =	sadd.s32 $0x10, s24;
	s24 =	sor.u32 $0x380, s24;
	v46 =	vld [tilespmem:s25+$0x800]  }
.Ltmp1:
0x5e: {  	v47 =	vmul.f32 v41, v6;
	v43 =	vmul.f32 v43, v6;
	s25 =	sor.u32 $0x300, s23;
	v41 =	vld [tilespmem:s24+$0x800];
	(pc) =	sbr.rel @p0 .LBB2_3-.Ltmp1, $4  }
0x5f: {  	s23 =	sor.u32 $0x380, s23;
	v35 =	vmul.f32 v44, v6;
	v36 =	vmul.f32 v45, v6;
	v38 =	vld [tilespmem:s25+$0x800]  }
0x60: {  	s22 =	sor.u32 s13, s22;
	v9 =	vadd.f32 v37, v9;
	v10 =	vadd.f32 v39, v10;
	v37 =	vld [tilespmem:s23+$0x800];
	v33 =	vmul.f32 v33, v6  }
0x61: {  	s21 =	sor.u32 s13, s21;
	v27 =	vadd.f32 v47, v27;
	v28 =	vadd.f32 v43, v28;
	v34 =	vmul.f32 v34, v6;
	v39 =	vld [tilespmem:s22+$0x0]  }
0x62: {  	s15 =	sadd.s32 $0x20, s15;
	s20 =	sor.u32 s13, s20;
	v9 =	vadd.f32 v40, v9;
	v10 =	vadd.f32 v42, v10;
	v42 =	vmul.f32 v46, v6;
	v40 =	vld [tilespmem:s21+$0x0]  }
0x63: {  	v27 =	vadd.f32 v31, v27  }
0x64: {  	v28 =	vadd.f32 v32, v28;
	v15 =	vadd.f32 v35, v15  }
0x65: {  	v50 =	vmul.f32 v41, v6;
	v21 =	vadd.f32 v36, v21;
	v18 =	vadd.f32 v33, v18  }
0x66: {  	v19 =	vadd.f32 v34, v19;
	v52 =	vmul.f32 v38, v5;
	v20 =	vadd.f32 v42, v20  }
0x67: {  	v60 =	vperm.xlane v9, v0;
	v61 =	vperm.xlane v10, v0;
	v22 =	vadd.f32 v50, v22  }
0x68: {  	v51 =	vld [tilespmem:s20+$0x0];
	v54 =	vmul.f32 v37, v5;
	v15 =	vadd.f32 v29, v15;
	v21 =	vadd.f32 v30, v21  }
0x69: {  	s15 =	sor.u32 s13, s19;
	v18 =	vadd.f32 v24, v18;
	v19 =	vadd.f32 v25, v19;
	v62 =	vperm.xlane v27, v0  }
0x6a: {  	s26 =	sadd.s32 $0x4B00, s14;
	v53 =	vld [tilespmem:s15+$0x0];
	v34 =	vperm.xlane v28, v0;
	v55 =	vmul.f32 v39, v6;
	v20 =	vadd.f32 v52, v20  }
0x6b: {  	s28 =	sadd.s32 $0x4B80, s14;
	s16 =	sor.u32 s13, s26;
	v9 =	vadd.f32 v60, v9;
	v10 =	vadd.f32 v61, v10;
	v56 =	vmul.f32 v40, v6  }
0x6c: {  	s29 =	sor.u32 s13, s28;
	v57 =	vld [tilespmem:s16+$0x0];
	v22 =	vadd.f32 v54, v22;
	v48 =	vperm.xlane v15, v0;
	v50 =	vperm.xlane v21, v0  }
0x6d: {  	s30 =	sor.u32 s12, s26;
	v59 =	vld [tilespmem:s29+$0x0];
	v35 =	vadd.f32 v62, v27;
	v32 =	vmul.f32 v51, v6;
	v36 =	vperm.xlane v9, v1  }
0x6e: {  	v63 =	vld [tilespmem:s30+$0x0];
	v24 =	vadd.f32 v34, v28;
	v37 =	vperm.xlane v10, v1;
	v51 =	vperm.xlane v20, v0  }
0x6f: {  	s31 =	sor.u32 s12, s28;
	v16 =	vadd.f32 v55, v16;
	v55 =	vperm.xlane v18, v0;
	v58 =	vmul.f32 v53, v6  }
0x70: {  	v39 =	vld [tilespmem:s31+$0x0];
	v17 =	vadd.f32 v56, v17;
	v38 =	vperm.xlane v35, v1;
	v40 =	vperm.xlane v24, v1  }
0x71: {  	v52 =	vadd.f32 v50, v21;
	v53 =	vperm.xlane v22, v0;
	v16 =	vadd.f32 v26, v16  }
0x72: {  	v31 =	vmul.f32 v57, v6;
	v6 =	vmul.f32 v59, v6;
	v14 =	vadd.f32 v32, v14  }
0x73: {  	v9 =	vadd.f32 v36, v9;
	v10 =	vadd.f32 v37, v10;
	v26 =	vmul.f32 v63, v5  }
0x74: {  	v57 =	vperm.xlane v19, v0;
	v17 =	vadd.f32 v23, v17;
	v12 =	vadd.f32 v58, v12  }
0x75: {  	v23 =	vadd.f32 v38, v35;
	v24 =	vadd.f32 v40, v24;
	v5 =	vmul.f32 v39, v5  }
0x76: {  	v56 =	vperm.xlane v52, v1;
	v41 =	vperm.xlane v9, v2;
	v7 =	vadd.f32 v31, v7  }
0x77: {  	v42 =	vperm.xlane v10, v2;
	v6 =	vadd.f32 v6, v8;
	v13 =	vadd.f32 v13, v14  }
0x78: {  	v19 =	vadd.f32 v57, v19;
	v36 =	vperm.xlane v16, v0;
	v43 =	vperm.xlane v23, v2  }
0x79: {  	v25 =	vperm.xlane v24, v2;
	v11 =	vadd.f32 v11, v12;
	v12 =	vadd.f32 v53, v22  }
0x7a: {  	v38 =	vperm.xlane v17, v0;
	v9 =	vadd.f32 v41, v9;
	v10 =	vadd.f32 v42, v10  }
0x7b: {  	v7 =	vadd.f32 v26, v7;
	v5 =	vadd.f32 v5, v6;
	v63 =	vperm.xlane v19, v1  }
0x7c: {  	v39 =	vadd.f32 v36, v16;
	v40 =	vperm.xlane v13, v0;
	v8 =	vadd.f32 v43, v23  }
0x7d: {  	v24 =	vadd.f32 v25, v24;
	v59 =	vperm.xlane v12, v1;
	v42 =	vperm.xlane v11, v0  }
0x7e: {  	v41 =	vadd.f32 v38, v17;
	v44 =	vperm.xlane v9, v3;
	v45 =	vperm.xlane v10, v3  }
0x7f: {  	v43 =	vperm.xlane v39, v1;
	v46 =	vperm.xlane v8, v3;
	v12 =	vadd.f32 v59, v12  }
0x80: {  	v47 =	vperm.xlane v24, v3;
	v11 =	vadd.f32 v42, v11;
	v9 =	vadd.f32 v44, v9  }
0x81: {  	v10 =	vadd.f32 v45, v10;
	v44 =	vperm.xlane v7, v0;
	v6 =	vadd.f32 v46, v8  }
0x82: {  	v45 =	vperm.xlane v41, v1;
	v49 =	vadd.f32 v47, v24;
	v8 =	vadd.f32 v48, v15  }
0x83: {  	v15 =	vadd.f32 v55, v18;
	v25 =	vperm.xlane v12, v2;
	v9 =	vsel vm0, v9, v10  }
0x84: {  	v46 =	vperm.xlane v5, v0;
	v6 =	vsel vm1, v9, v6;
	v9 =	vadd.f32 v51, v20  }
0x85: {  	v18 =	vadd.f32 v63, v19;
	v48 =	vperm.xlane v11, v1;
	v54 =	vperm.xlane v8, v1  }
0x86: {  	v10 =	vadd.f32 v56, v52;
	v7 =	vadd.f32 v44, v7;
	v58 =	vperm.xlane v9, v1  }
0x87: {  	v61 =	vperm.xlane v15, v1;
	v12 =	vadd.f32 v25, v12;
	v8 =	vadd.f32 v54, v8  }
0x88: {  	v28 =	vperm.xlane v18, v2;
	v5 =	vadd.f32 v46, v5;
	v9 =	vadd.f32 v58, v9  }
0x89: {  	v11 =	vadd.f32 v48, v11;
	v62 =	vperm.xlane v10, v2;
	v60 =	vperm.xlane v8, v2  }
0x8a: {  	v6 =	vsel vm2, v6, v49;
	v50 =	vperm.xlane v7, v1;
	v24 =	vperm.xlane v9, v2  }
0x8b: {  	v14 =	vadd.f32 v61, v15;
	v30 =	vperm.xlane v12, v3;
	v8 =	vadd.f32 v60, v8  }
0x8c: {  	v15 =	vadd.f32 v28, v18;
	v51 =	vperm.xlane v5, v1;
	v9 =	vadd.f32 v24, v9  }
0x8d: {  	v53 =	vperm.xlane v11, v2;
	v10 =	vadd.f32 v62, v10;
	v26 =	vperm.xlane v8, v3  }
0x8e: {  	v7 =	vadd.f32 v50, v7;
	v33 =	vadd.f32 v30, v12;
	v29 =	vperm.xlane v9, v3  }
0x8f: {  	v5 =	vadd.f32 v51, v5;
	v21 =	vperm.xlane v10, v3;
	v8 =	vadd.f32 v26, v8  }
0x90: {  	v27 =	vperm.xlane v14, v2;
	v31 =	vadd.f32 v29, v9;
	v9 =	vadd.f32 v40, v13  }
0x91: {  	v34 =	vperm.xlane v15, v3;
	v11 =	vadd.f32 v53, v11;
	v10 =	vadd.f32 v21, v10  }
0x92: {  	v6 =	vsel vm3, v6, v8;
	v8 =	vadd.f32 v43, v39;
	v47 =	vperm.xlane v9, v1  }
0x93: {  	v14 =	vadd.f32 v27, v14;
	v6 =	vsel vm4, v6, v10;
	v10 =	vadd.f32 v45, v41  }
0x94: {  	v55 =	vperm.xlane v7, v2;
	v49 =	vperm.xlane v8, v2;
	v9 =	vadd.f32 v47, v9  }
0x95: {  	v37 =	vadd.f32 v34, v15;
	v32 =	vperm.xlane v14, v3;
	v15 =	vperm.xlane v10, v2  }
0x96: {  	v56 =	vperm.xlane v5, v2;
	v8 =	vadd.f32 v49, v8;
	v52 =	vperm.xlane v9, v2  }
0x97: {  	v58 =	vperm.xlane v11, v3;
	v35 =	vadd.f32 v32, v14;
	v10 =	vadd.f32 v15, v10  }
0x98: {  	v6 =	vsel vm5, v6, v31;
	v54 =	vperm.xlane v8, v3;
	v9 =	vadd.f32 v52, v9  }
0x99: {  	v7 =	vadd.f32 v55, v7;
	v6 =	vsel vm6, v6, v33;
	v15 =	vperm.xlane v10, v3  }
0x9a: {  	v6 =	vsel vm7, v6, v35;
	v8 =	vadd.f32 v54, v8;
	v57 =	vperm.xlane v9, v3  }
0x9b: {  	v5 =	vadd.f32 v56, v5;
	v6 =	vsel vm8, v6, v37;
	v10 =	vadd.f32 v15, v10  }
0x9c: {  	v60 =	vperm.xlane v7, v3;
	v6 =	vsel vm9, v6, v8;
	v59 =	vadd.f32 v57, v9  }
0x9d: {  	v61 =	vadd.f32 v58, v11;
	v62 =	vperm.xlane v5, v3;
	v6 =	vsel vm10, v6, v10  }
0x9e: {  	v7 =	vadd.f32 v60, v7;
	v6 =	vsel vm11, v6, v59  }
0x9f: {  	v5 =	vadd.f32 v62, v5;
	v6 =	vsel vm12, v6, v61  }
0xa0: {  	v6 =	vsel vm13, v6, v7  }
0xa1: {  	v5 =	vsel vm14, v6, v5  }
0xa2: {  	v6 =	vperm.xlane v5, v0;
	_ =	sdelay $0x1  }
0xa3: {  	v6 =	vmax.f32 v5, v6  }
0xa4: {  	v7 =	vperm.xlane v6, v1;
	_ =	sdelay $0x1  }
0xa5: {  	v6 =	vmax.f32 v6, v7  }
0xa6: {  	v7 =	vperm.xlane v6, v2;
	_ =	sdelay $0x1  }
0xa7: {  	v6 =	vmax.f32 v6, v7  }
0xa8: {  	v7 =	vperm.xlane v6, v3;
	_ =	sdelay $0x1  }
0xa9: {  	v6 =	vmax.f32 v6, v7  }
0xaa: {  	vm15 =	veq.f32 v5, v6  }
0xab: {  	v6 =	vnsel vm15, $0x10, v4  }
0xac: {  	v7 =	vperm.xlane v6, v0;
	_ =	sdelay $0x1  }
0xad: {  	vm15 =	vlt.s32 v6, v7  }
0xae: {  	v6 =	vsel vm15, v6, v7  }
0xaf: {  	v7 =	vperm.xlane v6, v1;
	_ =	sdelay $0x1  }
0xb0: {  	vm15 =	vlt.s32 v6, v7  }
0xb1: {  	v6 =	vsel vm15, v6, v7  }
0xb2: {  	v7 =	vperm.xlane v6, v2;
	_ =	sdelay $0x1  }
0xb3: {  	vm15 =	vlt.s32 v6, v7  }
0xb4: {  	v6 =	vsel vm15, v6, v7  }
0xb5: {  	v7 =	vperm.xlane v6, v3;
	_ =	sdelay $0x1  }
0xb6: {  	vm15 =	vlt.s32 v6, v7  }
0xb7: {  	v6 =	vsel vm15, v6, v7  }
0xb8: {  	vm15 =	veq.s32 v6, v4  }
0xb9: {  	v5 =	vsel vm15, $0xFF800000, v5  }
0xba: {  	v7 =	vperm.xlane v5, v0;
	_ =	sdelay $0x1  }
0xbb: {  	v7 =	vmax.f32 v5, v7  }
0xbc: {  	v63 =	vperm.xlane v7, v1;
	_ =	sdelay $0x1  }
0xbd: {  	v7 =	vmax.f32 v7, v63  }
0xbe: {  	v8 =	vperm.xlane v7, v2;
	_ =	sdelay $0x1  }
0xbf: {  	v7 =	vmax.f32 v7, v8  }
0xc0: {  	v8 =	vperm.xlane v7, v3;
	_ =	sdelay $0x1  }
0xc1: {  	v7 =	vmax.f32 v7, v8  }
0xc2: {  	vm15 =	veq.f32 v5, v7  }
0xc3: {  	v5 =	vnsel vm15, $0x10, v4  }
0xc4: {  	v7 =	vperm.xlane v5, v0;
	_ =	sdelay $0x1  }
0xc5: {  	vm15 =	vlt.s32 v5, v7  }
0xc6: {  	v5 =	vsel vm15, v5, v7  }
0xc7: {  	v7 =	vperm.xlane v5, v1;
	_ =	sdelay $0x1  }
0xc8: {  	vm15 =	vlt.s32 v5, v7  }
0xc9: {  	v5 =	vsel vm15, v5, v7  }
0xca: {  	v7 =	vperm.xlane v5, v2;
	_ =	sdelay $0x1  }
0xcb: {  	vm15 =	vlt.s32 v5, v7  }
0xcc: {  	v5 =	vsel vm15, v5, v7  }
0xcd: {  	v7 =	vperm.xlane v5, v3;
	_ =	sdelay $0x1  }
0xce: {  	vm15 =	vlt.s32 v5, v7  }
0xcf: {  	s11 =	sadd.s32 $0x1, s11;
	v5 =	vsel vm15, v5, v7  }
0xd0: {  	p0 =	sne.s32 s11, s5;
	v5 =	vsel vm0, v6, v5  }
.Ltmp2:
0xd1: {  	[tilespmem:$0x8800] =	vst v5;
	(pc) =	sbr.rel @p0 .LBB2_2-.Ltmp2, $4  }
0xd2: {  	[hbm4b:s4+s6] =	stream.linear.scatter [tilespmem:s10], [sflag:$0x2], $0x80, $0x38;
	[tilespmem:$0x8880] =	vst v63  }
0xd3: {  	_ =	swait.ge [sflag:s7], $0x80  }
0xd4: {  	[sflag:s7] =	ssyncset.done $0x0  }
0xd5: {  	[sflag:s7] =	ssyncadd.s32 $0xFFFFFF80  }
.LBB2_5:
0xd6: {  	_ =	sfence.sel $0x180000  }
0xd7: {  	[bflag:$0x0] =	sbarrier.arrive $0xFFFF  }
0xd8: {  	p0 =	sne.s32 s0, $0x0;
	_ =	strace $0x90000047  }
0xd9: {  	s0 =	sadd.s32 @!p0 $0x100000, s1;
	[bflag:$0x2] =	sbarrier.arrive $0xFFFF  }
0xda: {  	[sflag:s0] =	ssyncadd.tile.s32 @!p0 $0x1;
	_ =	shalt  }
.Lfunc_end2:
_tile_overlayer_lowered:
.L_overlay_start_2:
0xdb: {  	(tag) =	ssettag $0x2  }
0xdc: {  	s0 =	rddreg [dreg:$0x0];
	s2 =	stileid.u32  }
0xdd: {  	s1 =	rddreg [dreg:$0x1];
	p0 =	sne.s32 s2, $0x0  }
0xde: {  	s3 =	rddreg [dreg:$0x2];
	[bflag:$0x3] =	sbarrier.arrive $0xFFFF;
	s2 =	simm.s32 @!p0 $0x1C02  }
0xdf: {  	[timem:s3], [sflag:s2] =	dma.local @!p0 [hbm:s0], s1  }
0xe0: {  	s0 =	simm.s32 @!p0 $0x2  }
0xe1: {  	_ =	swait.ge @!p0 [sflag:s0], s1  }
0xe2: {  	s1 =	ssub.s32 @!p0 $0x0, s1;
	[sflag:s0] =	ssyncset.done @!p0 $0x0  }
0xe3: {  	[sflag:s0] =	ssyncadd.s32 @!p0 s1  }
0xe4: {  	[bflag:$0x3] =	sbarrier.arrive $0xFFFF  }
0xe5: {  	_ =	shalt  }

</sc_bundles>
